<compile_context>
chip_gen: v7x
topology: tpu7x:2x2x1
jax: 0.10.2.dev20260603
libtpu: 0.0.44.dev20260713+nightly
codegen_flags: <defaults>
</compile_context>

<pallas_src>
import jax
import jax.numpy as jnp
from jax import lax
from jax.experimental import pallas as pl
from jax.experimental.pallas import tpu as pltpu
from jax.experimental.pallas import tpu_sc as plsc

N = 10000
D = 128
E = 320000
NC = 2
NS = 16
NW = NC * NS
CH = 128
CPW = -(-E // (NW * CH))
CPT = 2 * CPW
CPW0 = 79
CPW1 = CPT - CPW0
EPAD = CPT * NS * CH
NPAD = NS * 632
RPT = NPAD // NS
CR = 80


def _matmul_body(x_ref, w_ref, a_ref, bmat_ref):
    xb = x_ref[...]
    w = w_ref[...]
    w1 = w[:, :D]
    w2 = w[:, D:]
    dn = (((1,), (1,)), ((), ()))
    a_ref[...] = lax.dot_general(xb, w1 - w2, dn, precision=lax.Precision.HIGHEST,
                                 preferred_element_type=jnp.float32)
    bmat_ref[...] = lax.dot_general(xb, w2, dn, precision=lax.Precision.HIGHEST,
                                    preferred_element_type=jnp.float32)


NB = 2


def _scatter_body(bmat_hbm, ei_hbm, zer_hbm, zcnt_hbm, part_hbm, cnt_hbm,
                  ei_v, buf_v, cnt_v, acc_sh, gsem, ssem, isem):
    c = lax.axis_index("c")
    s = lax.axis_index("s")
    w = c * NS + s
    cpw = jnp.where(c == 0, CPW0, CPW1)
    off = jnp.where(c == 0, s * CPW0, NS * CPW0 + s * CPW1)

    pltpu.sync_copy(zer_hbm, acc_sh.at[pl.ds(s * RPT, RPT)])
    pltpu.sync_copy(zcnt_hbm, cnt_v)
    plsc.subcore_barrier()

    ones16 = jnp.ones((16,), jnp.float32)

    def fire_idx(g):
        pltpu.async_copy(ei_hbm.at[off + g], ei_v.at[lax.bitwise_and(g, 3)], isem)

    def fire_gather(g):
        pltpu.async_copy(bmat_hbm.at[ei_v.at[lax.bitwise_and(g, 3), 0]],
                         buf_v.at[pl.ds(lax.bitwise_and(g, 1) * CH, CH)], gsem)

    def drain_rows(sem):
        pltpu.make_async_copy(
            bmat_hbm.at[pl.ds(0, CH)], buf_v.at[pl.ds(0, CH)], sem).wait()

    def wait_idx():
        pltpu.make_async_copy(ei_hbm.at[0], ei_v.at[0], isem).wait()

    def finish_chunk(g):
        islot = lax.bitwise_and(g, 3)
        drain_rows(gsem)
        pltpu.async_copy(buf_v.at[pl.ds(lax.bitwise_and(g, 1) * CH, CH)],
                         acc_sh.at[ei_v.at[islot, 1]], ssem, add=True)
        for p in range(4):
            @pl.when(islot == p)
            def _():
                for k in range(CH // 16):
                    d16 = ei_v[p, 1, pl.ds(k * 16, 16)]
                    plsc.addupdate_scatter(cnt_v, [d16], ones16)

    pltpu.sync_copy(ei_hbm.at[off], ei_v.at[0])
    fire_gather(0)
    fire_idx(1)

    def step(g, carry):
        @pl.when(g >= 2)
        def _():
            drain_rows(ssem)
        wait_idx()
        fire_gather(g)
        finish_chunk(g - 1)
        @pl.when(g + 1 < cpw)
        def _():
            fire_idx(g + 1)
        return carry

    lax.fori_loop(1, cpw, step, 0)
    finish_chunk(cpw - 1)
    drain_rows(ssem)
    drain_rows(ssem)
    plsc.subcore_barrier()

    pltpu.sync_copy(acc_sh.at[pl.ds(s * RPT, RPT)],
                    part_hbm.at[c, pl.ds(s * RPT, RPT)])
    pltpu.sync_copy(cnt_v, cnt_hbm.at[w])


def _combine_body(a_ref, p_ref, c_ref, b_ref, out_ref):
    s = p_ref[0] + p_ref[1]
    cnt = jnp.sum(c_ref[...], axis=1, keepdims=True)
    pos = cnt > 0.0
    denom = jnp.maximum(cnt, 1.0)
    out = a_ref[...] + b_ref[...][None, :] + s / denom
    out_ref[...] = jnp.where(pos, out, 0.0)


def kernel(x, edge_index, W, b):
    src = edge_index[0].astype(jnp.int32)
    dst = edge_index[1].astype(jnp.int32)
    pad = EPAD - E
    src_p = jnp.concatenate([src, jnp.zeros((pad,), jnp.int32)]).reshape(CPT * NS, CH)
    trash = N + jnp.arange(pad, dtype=jnp.int32) % (NPAD - N)
    dst_p = jnp.concatenate([dst, trash]).reshape(CPT * NS, CH)
    ei_p = jnp.stack([src_p, dst_p], axis=1)
    zeros_tile = jnp.zeros((RPT, D), jnp.float32)
    zeros_cnt = jnp.zeros((CR * 128,), jnp.float32)

    RB = 2000
    a, bmat = pl.pallas_call(
        _matmul_body,
        grid=(N // RB,),
        in_specs=[
            pl.BlockSpec((RB, D), lambda i: (i, 0)),
            pl.BlockSpec((D, 2 * D), lambda i: (0, 0)),
        ],
        out_specs=[
            pl.BlockSpec((RB, D), lambda i: (i, 0)),
            pl.BlockSpec((RB, D), lambda i: (i, 0)),
        ],
        out_shape=[
            jax.ShapeDtypeStruct((N, D), jnp.float32),
            jax.ShapeDtypeStruct((N, D), jnp.float32),
        ],
    )(x, W)

    mesh = plsc.VectorSubcoreMesh(core_axis_name="c", subcore_axis_name="s")
    partials, counts = pl.kernel(
        _scatter_body,
        out_type=(
            jax.ShapeDtypeStruct((NC, NPAD, D), jnp.float32),
            jax.ShapeDtypeStruct((NW, CR * 128), jnp.float32),
        ),
        mesh=mesh,
        compiler_params=pltpu.CompilerParams(needs_layout_passes=False),
        scratch_types=[
            pltpu.VMEM((4, 2, CH), jnp.int32),
            pltpu.VMEM((NB * CH, D), jnp.float32),
            pltpu.VMEM((CR * 128,), jnp.float32),
            pltpu.VMEM_SHARED((NPAD, D), jnp.float32),
            pltpu.SemaphoreType.DMA,
            pltpu.SemaphoreType.DMA,
            pltpu.SemaphoreType.DMA,
        ],
    )(bmat, ei_p, zeros_tile, zeros_cnt)

    cnt_nodes = counts[:, :N].T

    out = pl.pallas_call(
        _combine_body,
        grid=(N // RB,),
        in_specs=[
            pl.BlockSpec((RB, D), lambda i: (i, 0)),
            pl.BlockSpec((NC, RB, D), lambda i: (0, i, 0)),
            pl.BlockSpec((RB, NW), lambda i: (i, 0)),
            pl.BlockSpec((D,), lambda i: (0,)),
        ],
        out_specs=pl.BlockSpec((RB, D), lambda i: (i, 0)),
        out_shape=jax.ShapeDtypeStruct((N, D), jnp.float32),
    )(a, partials, cnt_nodes, b)
    return out

# --- scband reference (transcript-rebuilt; emitter-appended) ---
"""Pipeline reference for scband-edge-conv-block-60859686584363 (READ-ONLY COPY).

The authoritative reference and input builder live on the scoring server;
editing this copy changes nothing except your own understanding.
"""

import jax, jax.numpy as jnp
import numpy as np

N_NODES = 10000
N_EDGES = 320000
D_FEAT = 128

def setup_inputs(seed: int = 0) -> dict:
    key = jax.random.key(seed)
    k1, k2, k3, k4 = jax.random.split(key, 4)
    x = jax.random.normal(k1, (N_NODES, D_FEAT), dtype=jnp.float32)
    edge_index = jax.random.randint(k2, (2, N_EDGES), 0, N_NODES).astype(jnp.int64)
    # Linear(in_size*2 -> layer_size): weight [layer_size, 2*in_size], bias [layer_size]
    bound = 1.0 / np.sqrt(2 * D_FEAT)
    W = jax.random.uniform(k3, (D_FEAT, 2 * D_FEAT), dtype=jnp.float32, minval=-bound, maxval=bound)
    b = jax.random.uniform(k4, (D_FEAT,), dtype=jnp.float32, minval=-bound, maxval=bound)
    return {"x": x, "edge_index": edge_index, "W": W, "b": b}

def reference(x, edge_index, W, b):
    # EdgeConv with aggr='mean':
    # message per edge (j->i): nn(cat([x_i, x_j - x_i]))
    # PyG convention: edge_index[0]=src (j), edge_index[1]=dst (i)
    src = edge_index[0]
    dst = edge_index[1]
    x_j = jnp.take(x, src, axis=0)   # gather source node feats
    x_i = jnp.take(x, dst, axis=0)   # gather dest node feats
    msg = jnp.concatenate([x_i, x_j - x_i], axis=-1) @ W.T + b
    # mean aggregation at destination nodes (nodes with no edges -> 0)
    summed = jax.ops.segment_sum(msg, dst, num_segments=N_NODES)
    cnt = jax.ops.segment_sum(jnp.ones((dst.shape[0],), dtype=msg.dtype), dst, num_segments=N_NODES)
    out = summed / jnp.clip(cnt, 1.0, None)[:, None]
    return out

if __name__ == "__main__":
    import jax
    _d = setup_inputs()
    print(jax.jit(kernel)(*tuple(_d.values())))

</pallas_src>

<mosaic_0001>
#map = affine_map<(d0, d1) -> (0, 0)>
#map1 = affine_map<(d0, d1) -> (0, 0, 0)>
#map2 = affine_map<(d0, d1) -> (0)>
module attributes {stable_mosaic.version = 14 : i64} {
  func.func @_scatter_body(%arg0: i32, %arg1: i32, %arg2: memref<10000x128xf32, #tpu.memory_space<hbm>>, %arg3: memref<2528x2x128xi32, #tpu.memory_space<hbm>>, %arg4: memref<632x128xf32, #tpu.memory_space<hbm>>, %arg5: memref<10240xf32, #tpu.memory_space<hbm>>, %arg6: memref<2x10112x128xf32, #tpu.memory_space<hbm>>, %arg7: memref<32x10240xf32, #tpu.memory_space<hbm>>, %arg8: memref<4x2x128xi32, #tpu.memory_space<vmem>>, %arg9: memref<256x128xf32, #tpu.memory_space<vmem>>, %arg10: memref<10240xf32, #tpu.memory_space<vmem>>, %arg11: memref<10112x128xf32, #tpu.memory_space<vmem_shared>>, %arg12: memref<!tpu.dma_semaphore, #tpu.memory_space<semaphore_mem>>, %arg13: memref<!tpu.dma_semaphore, #tpu.memory_space<semaphore_mem>>, %arg14: memref<!tpu.dma_semaphore, #tpu.memory_space<semaphore_mem>>) attributes {dimension_semantics = [#tpu.dimension_semantics<core_parallel>, #tpu.dimension_semantics<subcore_parallel>], iteration_bounds = array<i64: 2, 16>, scalar_prefetch = 0 : i64, scratch_operands = 7 : i64, tpu.core_type = #tpu.core_type<sc_vector_subcore>, window_params = [{transform_indices = #map}, {transform_indices = #map1}, {transform_indices = #map}, {transform_indices = #map2}, {transform_indices = #map1}, {transform_indices = #map}]} {
    %mul3A = arith.constant 16 : i32
    %mul3A_0 = arith.muli %arg0, %mul3A : i32
    %add3A = arith.addi %mul3A_0, %arg1 : i32
    %eq3A = arith.constant 0 : i32
    %eq3A_1 = arith.cmpi eq, %arg0, %eq3A : i32
    %jit3A = arith.constant 79 : i32
    %jit3A_2 = arith.constant 79 : i32
    %select_n3A = arith.select %eq3A_1, %jit3A, %jit3A_2 : i32
    %eq3A_3 = arith.constant 0 : i32
    %eq3A_4 = arith.cmpi eq, %arg0, %eq3A_3 : i32
    %mul3A_5 = arith.constant 79 : i32
    %mul3A_6 = arith.muli %arg1, %mul3A_5 : i32
    %mul3A_7 = arith.constant 79 : i32
    %mul3A_8 = arith.muli %arg1, %mul3A_7 : i32
    %add3A_9 = arith.constant 1264 : i32
    %add3A_10 = arith.addi %add3A_9, %mul3A_8 : i32
    %select_n3A_11 = arith.select %eq3A_4, %mul3A_6, %add3A_10 : i32
    %mul3A_12 = arith.constant 632 : i32
    %mul3A_13 = arith.muli %arg1, %mul3A_12 : i32
    "tpu.region"() ({
      %run_scoped3A_134 = tpu.sem_alloc : memref<!tpu.dma_semaphore, #tpu.memory_space<semaphore_mem>>
      %dma_start3A_135 = arith.constant 0 : i32
      %dma_start3A_136 = tpu.memref_slice %arg11[%mul3A_13, %dma_start3A_135] : memref<10112x128xf32, #tpu.memory_space<vmem_shared>> -> memref<632x128xf32, #tpu.memory_space<vmem_shared>>
      tpu.enqueue_dma source(%arg4 : memref<632x128xf32, #tpu.memory_space<hbm>>) target(%dma_start3A_136 : memref<632x128xf32, #tpu.memory_space<vmem_shared>>) target_semaphore(%run_scoped3A_134 : memref<!tpu.dma_semaphore, #tpu.memory_space<semaphore_mem>>)
      %dma_wait3A_137 = arith.constant 0 : i32
      %dma_wait3A_138 = tpu.memref_slice %arg11[%mul3A_13, %dma_wait3A_137] : memref<10112x128xf32, #tpu.memory_space<vmem_shared>> -> memref<632x128xf32, #tpu.memory_space<vmem_shared>>
      tpu.wait_dma2 semaphore(%run_scoped3A_134 : memref<!tpu.dma_semaphore, #tpu.memory_space<semaphore_mem>>) src(%arg4 : memref<632x128xf32, #tpu.memory_space<hbm>>) dst(%dma_wait3A_138 : memref<632x128xf32, #tpu.memory_space<vmem_shared>>)
      tpu.yield
    }) : () -> ()
    "tpu.region"() ({
      %run_scoped3A_134 = tpu.sem_alloc : memref<!tpu.dma_semaphore, #tpu.memory_space<semaphore_mem>>
      tpu.enqueue_dma source(%arg5 : memref<10240xf32, #tpu.memory_space<hbm>>) target(%arg10 : memref<10240xf32, #tpu.memory_space<vmem>>) target_semaphore(%run_scoped3A_134 : memref<!tpu.dma_semaphore, #tpu.memory_space<semaphore_mem>>)
      tpu.wait_dma2 semaphore(%run_scoped3A_134 : memref<!tpu.dma_semaphore, #tpu.memory_space<semaphore_mem>>) src(%arg5 : memref<10240xf32, #tpu.memory_space<hbm>>) dst(%arg10 : memref<10240xf32, #tpu.memory_space<vmem>>)
      tpu.yield
    }) : () -> ()
    %barrier3A = arith.constant 0 : index
    tpu.barrier barrier_id(%barrier3A)
    %broadcast_in_dim3A = arith.constant 1.000000e+00 : f32
    %broadcast_in_dim3A_14 = vector.broadcast %broadcast_in_dim3A : f32 to vector<16xf32>
    %run_scoped3A = arith.constant 0 : i32
    "tpu.region"() ({
      %run_scoped3A_134 = tpu.sem_alloc : memref<!tpu.dma_semaphore, #tpu.memory_space<semaphore_mem>>
      %dma_start3A_135 = arith.constant 0 : i32
      %dma_start3A_136 = arith.constant 0 : i32
      %dma_start3A_137 = tpu.memref_slice %arg8[%run_scoped3A, %dma_start3A_135, %dma_start3A_136] : memref<4x2x128xi32, #tpu.memory_space<vmem>> -> memref<1x2x128xi32, #tpu.memory_space<vmem>>
      %dma_start3A_138 = tpu.memref_squeeze %dma_start3A_137 : memref<1x2x128xi32, #tpu.memory_space<vmem>> -> memref<2x128xi32, #tpu.memory_space<vmem>>
      %dma_start3A_139 = arith.constant 0 : i32
      %dma_start3A_140 = arith.constant 0 : i32
      %dma_start3A_141 = tpu.memref_slice %arg3[%select_n3A_11, %dma_start3A_139, %dma_start3A_140] : memref<2528x2x128xi32, #tpu.memory_space<hbm>> -> memref<1x2x128xi32, #tpu.memory_space<hbm>>
      %dma_start3A_142 = tpu.memref_squeeze %dma_start3A_141 : memref<1x2x128xi32, #tpu.memory_space<hbm>> -> memref<2x128xi32, #tpu.memory_space<hbm>>
      %dma_start3A_143 = arith.constant 0 : i32
      %dma_start3A_144 = arith.constant 0 : i32
      %dma_start3A_145 = tpu.memref_slice %arg8[%run_scoped3A, %dma_start3A_143, %dma_start3A_144] : memref<4x2x128xi32, #tpu.memory_space<vmem>> -> memref<1x2x128xi32, #tpu.memory_space<vmem>>
      %dma_start3A_146 = tpu.memref_squeeze %dma_start3A_145 : memref<1x2x128xi32, #tpu.memory_space<vmem>> -> memref<2x128xi32, #tpu.memory_space<vmem>>
      %dma_start3A_147 = arith.constant 0 : i32
      %dma_start3A_148 = arith.constant 0 : i32
      %dma_start3A_149 = tpu.memref_slice %arg3[%select_n3A_11, %dma_start3A_147, %dma_start3A_148] : memref<2528x2x128xi32, #tpu.memory_space<hbm>> -> memref<1x2x128xi32, #tpu.memory_space<hbm>>
      %dma_start3A_150 = tpu.memref_squeeze %dma_start3A_149 : memref<1x2x128xi32, #tpu.memory_space<hbm>> -> memref<2x128xi32, #tpu.memory_space<hbm>>
      tpu.enqueue_dma source(%dma_start3A_150 : memref<2x128xi32, #tpu.memory_space<hbm>>) target(%dma_start3A_146 : memref<2x128xi32, #tpu.memory_space<vmem>>) target_semaphore(%run_scoped3A_134 : memref<!tpu.dma_semaphore, #tpu.memory_space<semaphore_mem>>)
      %dma_wait3A_151 = arith.constant 0 : i32
      %dma_wait3A_152 = arith.constant 0 : i32
      %dma_wait3A_153 = tpu.memref_slice %arg8[%run_scoped3A, %dma_wait3A_151, %dma_wait3A_152] : memref<4x2x128xi32, #tpu.memory_space<vmem>> -> memref<1x2x128xi32, #tpu.memory_space<vmem>>
      %dma_wait3A_154 = tpu.memref_squeeze %dma_wait3A_153 : memref<1x2x128xi32, #tpu.memory_space<vmem>> -> memref<2x128xi32, #tpu.memory_space<vmem>>
      %dma_wait3A_155 = arith.constant 0 : i32
      %dma_wait3A_156 = arith.constant 0 : i32
      %dma_wait3A_157 = tpu.memref_slice %arg3[%select_n3A_11, %dma_wait3A_155, %dma_wait3A_156] : memref<2528x2x128xi32, #tpu.memory_space<hbm>> -> memref<1x2x128xi32, #tpu.memory_space<hbm>>
      %dma_wait3A_158 = tpu.memref_squeeze %dma_wait3A_157 : memref<1x2x128xi32, #tpu.memory_space<hbm>> -> memref<2x128xi32, #tpu.memory_space<hbm>>
      %dma_wait3A_159 = arith.constant 0 : i32
      %dma_wait3A_160 = arith.constant 0 : i32
      %dma_wait3A_161 = tpu.memref_slice %arg8[%run_scoped3A, %dma_wait3A_159, %dma_wait3A_160] : memref<4x2x128xi32, #tpu.memory_space<vmem>> -> memref<1x2x128xi32, #tpu.memory_space<vmem>>
      %dma_wait3A_162 = tpu.memref_squeeze %dma_wait3A_161 : memref<1x2x128xi32, #tpu.memory_space<vmem>> -> memref<2x128xi32, #tpu.memory_space<vmem>>
      %dma_wait3A_163 = arith.constant 0 : i32
      %dma_wait3A_164 = arith.constant 0 : i32
      %dma_wait3A_165 = tpu.memref_slice %arg3[%select_n3A_11, %dma_wait3A_163, %dma_wait3A_164] : memref<2528x2x128xi32, #tpu.memory_space<hbm>> -> memref<1x2x128xi32, #tpu.memory_space<hbm>>
      %dma_wait3A_166 = tpu.memref_squeeze %dma_wait3A_165 : memref<1x2x128xi32, #tpu.memory_space<hbm>> -> memref<2x128xi32, #tpu.memory_space<hbm>>
      tpu.wait_dma2 semaphore(%run_scoped3A_134 : memref<!tpu.dma_semaphore, #tpu.memory_space<semaphore_mem>>) src(%dma_wait3A_166 : memref<2x128xi32, #tpu.memory_space<hbm>>) dst(%dma_wait3A_162 : memref<2x128xi32, #tpu.memory_space<vmem>>)
      tpu.yield
    }) : () -> ()
    %and3A = arith.constant 0 : i32
    %and3A_15 = arith.constant 3 : i32
    %and3A_16 = arith.andi %and3A, %and3A_15 : i32
    %and3A_17 = arith.constant 0 : i32
    %and3A_18 = arith.constant 1 : i32
    %and3A_19 = arith.andi %and3A_17, %and3A_18 : i32
    %mul3A_20 = arith.constant 128 : i32
    %mul3A_21 = arith.muli %and3A_19, %mul3A_20 : i32
    %dma_start3A = arith.constant 0 : i32
    %dma_start3A_22 = arith.constant 0 : i32
    %dma_start3A_23 = tpu.memref_slice %arg9[%mul3A_21, %dma_start3A_22] : memref<256x128xf32, #tpu.memory_space<vmem>> -> memref<128x128xf32, #tpu.memory_space<vmem>>
    %dma_start3A_24 = arith.constant 0 : i32
    %dma_start3A_25 = tpu.memref_slice %arg8[%and3A_16, %dma_start3A, %dma_start3A_24] : memref<4x2x128xi32, #tpu.memory_space<vmem>> -> memref<1x1x128xi32, #tpu.memory_space<vmem>>
    %dma_start3A_26 = tpu.memref_squeeze %dma_start3A_25 : memref<1x1x128xi32, #tpu.memory_space<vmem>> -> memref<128xi32, #tpu.memory_space<vmem>>
    %dma_start3A_27 = arith.constant 0 : i32
    %dma_start3A_28 = arith.constant 0 : i32
    %dma_start3A_29 = tpu.memref_slice %arg2[%dma_start3A_27, %dma_start3A_28] : memref<10000x128xf32, #tpu.memory_space<hbm>> -> memref<10000x128xf32, #tpu.memory_space<hbm>>
    tpu.enqueue_indirect_dma source(%dma_start3A_29 : memref<10000x128xf32, #tpu.memory_space<hbm>>) target(%dma_start3A_23 : memref<128x128xf32, #tpu.memory_space<vmem>>) offsets(%dma_start3A_26 : memref<128xi32, #tpu.memory_space<vmem>>) semaphore(%arg12 : memref<!tpu.dma_semaphore, #tpu.memory_space<semaphore_mem>>)
    %add3A_30 = arith.constant 1 : i32
    %add3A_31 = arith.addi %select_n3A_11, %add3A_30 : i32
    %and3A_32 = arith.constant 1 : i32
    %and3A_33 = arith.constant 3 : i32
    %and3A_34 = arith.andi %and3A_32, %and3A_33 : i32
    %dma_start3A_35 = arith.constant 0 : i32
    %dma_start3A_36 = arith.constant 0 : i32
    %dma_start3A_37 = tpu.memref_slice %arg8[%and3A_34, %dma_start3A_35, %dma_start3A_36] : memref<4x2x128xi32, #tpu.memory_space<vmem>> -> memref<1x2x128xi32, #tpu.memory_space<vmem>>
    %dma_start3A_38 = tpu.memref_squeeze %dma_start3A_37 : memref<1x2x128xi32, #tpu.memory_space<vmem>> -> memref<2x128xi32, #tpu.memory_space<vmem>>
    %dma_start3A_39 = arith.constant 0 : i32
    %dma_start3A_40 = arith.constant 0 : i32
    %dma_start3A_41 = tpu.memref_slice %arg3[%add3A_31, %dma_start3A_39, %dma_start3A_40] : memref<2528x2x128xi32, #tpu.memory_space<hbm>> -> memref<1x2x128xi32, #tpu.memory_space<hbm>>
    %dma_start3A_42 = tpu.memref_squeeze %dma_start3A_41 : memref<1x2x128xi32, #tpu.memory_space<hbm>> -> memref<2x128xi32, #tpu.memory_space<hbm>>
    %dma_start3A_43 = arith.constant 0 : i32
    %dma_start3A_44 = arith.constant 0 : i32
    %dma_start3A_45 = tpu.memref_slice %arg8[%and3A_34, %dma_start3A_43, %dma_start3A_44] : memref<4x2x128xi32, #tpu.memory_space<vmem>> -> memref<1x2x128xi32, #tpu.memory_space<vmem>>
    %dma_start3A_46 = tpu.memref_squeeze %dma_start3A_45 : memref<1x2x128xi32, #tpu.memory_space<vmem>> -> memref<2x128xi32, #tpu.memory_space<vmem>>
    %dma_start3A_47 = arith.constant 0 : i32
    %dma_start3A_48 = arith.constant 0 : i32
    %dma_start3A_49 = tpu.memref_slice %arg3[%add3A_31, %dma_start3A_47, %dma_start3A_48] : memref<2528x2x128xi32, #tpu.memory_space<hbm>> -> memref<1x2x128xi32, #tpu.memory_space<hbm>>
    %dma_start3A_50 = tpu.memref_squeeze %dma_start3A_49 : memref<1x2x128xi32, #tpu.memory_space<hbm>> -> memref<2x128xi32, #tpu.memory_space<hbm>>
    tpu.enqueue_dma source(%dma_start3A_50 : memref<2x128xi32, #tpu.memory_space<hbm>>) target(%dma_start3A_46 : memref<2x128xi32, #tpu.memory_space<vmem>>) target_semaphore(%arg14 : memref<!tpu.dma_semaphore, #tpu.memory_space<semaphore_mem>>)
    %while3A = arith.constant 0 : i32
    %while3A_51 = arith.constant 1 : i32
    %while3A_52 = arith.subi %select_n3A, %while3A_51 : i32
    %while3A_53 = arith.addi %while3A_51, %while3A_52 : i32
    %while3A_54 = arith.constant 1 : i32
    %while3A_55 = arith.divsi %while3A_52, %while3A_54 : i32
    %while3A_56 = arith.muli %while3A_55, %while3A_54 : i32
    %while3A_57 = arith.addi %while3A_51, %while3A_56 : i32
    %while3A_58 = arith.constant 1 : i32
    scf.for %while3A_134 = %while3A_51 to %while3A_57 step %while3A_58  : i32 {
      %ge3A = arith.constant 2 : i32
      %ge3A_135 = arith.cmpi sge, %while3A_134, %ge3A : i32
      %convert_element_type3A_136 = arith.extui %ge3A_135 : i1 to i32
      %cond3A_137 = arith.constant 0 : i32
      %cond3A_138 = arith.cmpi ne, %convert_element_type3A_136, %cond3A_137 : i32
      scf.if %cond3A_138 {
        %dma_wait3A_226 = arith.constant 0 : i32
        %dma_wait3A_227 = arith.constant 0 : i32
        %dma_wait3A_228 = tpu.memref_slice %arg9[%dma_wait3A_226, %dma_wait3A_227] : memref<256x128xf32, #tpu.memory_space<vmem>> -> memref<128x128xf32, #tpu.memory_space<vmem>>
        %dma_wait3A_229 = arith.constant 0 : i32
        %dma_wait3A_230 = arith.constant 0 : i32
        %dma_wait3A_231 = tpu.memref_slice %arg2[%dma_wait3A_229, %dma_wait3A_230] : memref<10000x128xf32, #tpu.memory_space<hbm>> -> memref<128x128xf32, #tpu.memory_space<hbm>>
        %dma_wait3A_232 = arith.constant 0 : i32
        %dma_wait3A_233 = arith.constant 0 : i32
        %dma_wait3A_234 = tpu.memref_slice %arg9[%dma_wait3A_232, %dma_wait3A_233] : memref<256x128xf32, #tpu.memory_space<vmem>> -> memref<128x128xf32, #tpu.memory_space<vmem>>
        %dma_wait3A_235 = arith.constant 0 : i32
        %dma_wait3A_236 = arith.constant 0 : i32
        %dma_wait3A_237 = tpu.memref_slice %arg2[%dma_wait3A_235, %dma_wait3A_236] : memref<10000x128xf32, #tpu.memory_space<hbm>> -> memref<128x128xf32, #tpu.memory_space<hbm>>
        tpu.wait_dma2 semaphore(%arg13 : memref<!tpu.dma_semaphore, #tpu.memory_space<semaphore_mem>>) src(%dma_wait3A_237 : memref<128x128xf32, #tpu.memory_space<hbm>>) dst(%dma_wait3A_234 : memref<128x128xf32, #tpu.memory_space<vmem>>)
      } else {
      }
      %dma_wait3A_139 = arith.constant 0 : i32
      %dma_wait3A_140 = arith.constant 0 : i32
      %dma_wait3A_141 = arith.constant 0 : i32
      %dma_wait3A_142 = arith.constant 0 : i32
      %dma_wait3A_143 = tpu.memref_slice %arg8[%dma_wait3A_140, %dma_wait3A_141, %dma_wait3A_142] : memref<4x2x128xi32, #tpu.memory_space<vmem>> -> memref<1x2x128xi32, #tpu.memory_space<vmem>>
      %dma_wait3A_144 = tpu.memref_squeeze %dma_wait3A_143 : memref<1x2x128xi32, #tpu.memory_space<vmem>> -> memref<2x128xi32, #tpu.memory_space<vmem>>
      %dma_wait3A_145 = arith.constant 0 : i32
      %dma_wait3A_146 = arith.constant 0 : i32
      %dma_wait3A_147 = tpu.memref_slice %arg3[%dma_wait3A_139, %dma_wait3A_145, %dma_wait3A_146] : memref<2528x2x128xi32, #tpu.memory_space<hbm>> -> memref<1x2x128xi32, #tpu.memory_space<hbm>>
      %dma_wait3A_148 = tpu.memref_squeeze %dma_wait3A_147 : memref<1x2x128xi32, #tpu.memory_space<hbm>> -> memref<2x128xi32, #tpu.memory_space<hbm>>
      %dma_wait3A_149 = arith.constant 0 : i32
      %dma_wait3A_150 = arith.constant 0 : i32
      %dma_wait3A_151 = tpu.memref_slice %arg8[%dma_wait3A_140, %dma_wait3A_149, %dma_wait3A_150] : memref<4x2x128xi32, #tpu.memory_space<vmem>> -> memref<1x2x128xi32, #tpu.memory_space<vmem>>
      %dma_wait3A_152 = tpu.memref_squeeze %dma_wait3A_151 : memref<1x2x128xi32, #tpu.memory_space<vmem>> -> memref<2x128xi32, #tpu.memory_space<vmem>>
      %dma_wait3A_153 = arith.constant 0 : i32
      %dma_wait3A_154 = arith.constant 0 : i32
      %dma_wait3A_155 = tpu.memref_slice %arg3[%dma_wait3A_139, %dma_wait3A_153, %dma_wait3A_154] : memref<2528x2x128xi32, #tpu.memory_space<hbm>> -> memref<1x2x128xi32, #tpu.memory_space<hbm>>
      %dma_wait3A_156 = tpu.memref_squeeze %dma_wait3A_155 : memref<1x2x128xi32, #tpu.memory_space<hbm>> -> memref<2x128xi32, #tpu.memory_space<hbm>>
      tpu.wait_dma2 semaphore(%arg14 : memref<!tpu.dma_semaphore, #tpu.memory_space<semaphore_mem>>) src(%dma_wait3A_156 : memref<2x128xi32, #tpu.memory_space<hbm>>) dst(%dma_wait3A_152 : memref<2x128xi32, #tpu.memory_space<vmem>>)
      %and3A_157 = arith.constant 3 : i32
      %and3A_158 = arith.andi %while3A_134, %and3A_157 : i32
      %and3A_159 = arith.constant 1 : i32
      %and3A_160 = arith.andi %while3A_134, %and3A_159 : i32
      %mul3A_161 = arith.constant 128 : i32
      %mul3A_162 = arith.muli %and3A_160, %mul3A_161 : i32
      %dma_start3A_163 = arith.constant 0 : i32
      %dma_start3A_164 = arith.constant 0 : i32
      %dma_start3A_165 = tpu.memref_slice %arg9[%mul3A_162, %dma_start3A_164] : memref<256x128xf32, #tpu.memory_space<vmem>> -> memref<128x128xf32, #tpu.memory_space<vmem>>
      %dma_start3A_166 = arith.constant 0 : i32
      %dma_start3A_167 = tpu.memref_slice %arg8[%and3A_158, %dma_start3A_163, %dma_start3A_166] : memref<4x2x128xi32, #tpu.memory_space<vmem>> -> memref<1x1x128xi32, #tpu.memory_space<vmem>>
      %dma_start3A_168 = tpu.memref_squeeze %dma_start3A_167 : memref<1x1x128xi32, #tpu.memory_space<vmem>> -> memref<128xi32, #tpu.memory_space<vmem>>
      %dma_start3A_169 = arith.constant 0 : i32
      %dma_start3A_170 = arith.constant 0 : i32
      %dma_start3A_171 = tpu.memref_slice %arg2[%dma_start3A_169, %dma_start3A_170] : memref<10000x128xf32, #tpu.memory_space<hbm>> -> memref<10000x128xf32, #tpu.memory_space<hbm>>
      tpu.enqueue_indirect_dma source(%dma_start3A_171 : memref<10000x128xf32, #tpu.memory_space<hbm>>) target(%dma_start3A_165 : memref<128x128xf32, #tpu.memory_space<vmem>>) offsets(%dma_start3A_168 : memref<128xi32, #tpu.memory_space<vmem>>) semaphore(%arg12 : memref<!tpu.dma_semaphore, #tpu.memory_space<semaphore_mem>>)
      %sub3A_172 = arith.constant 1 : i32
      %sub3A_173 = arith.subi %while3A_134, %sub3A_172 : i32
      %and3A_174 = arith.constant 3 : i32
      %and3A_175 = arith.andi %sub3A_173, %and3A_174 : i32
      %dma_wait3A_176 = arith.constant 0 : i32
      %dma_wait3A_177 = arith.constant 0 : i32
      %dma_wait3A_178 = tpu.memref_slice %arg9[%dma_wait3A_176, %dma_wait3A_177] : memref<256x128xf32, #tpu.memory_space<vmem>> -> memref<128x128xf32, #tpu.memory_space<vmem>>
      %dma_wait3A_179 = arith.constant 0 : i32
      %dma_wait3A_180 = arith.constant 0 : i32
      %dma_wait3A_181 = tpu.memref_slice %arg2[%dma_wait3A_179, %dma_wait3A_180] : memref<10000x128xf32, #tpu.memory_space<hbm>> -> memref<128x128xf32, #tpu.memory_space<hbm>>
      %dma_wait3A_182 = arith.constant 0 : i32
      %dma_wait3A_183 = arith.constant 0 : i32
      %dma_wait3A_184 = tpu.memref_slice %arg9[%dma_wait3A_182, %dma_wait3A_183] : memref<256x128xf32, #tpu.memory_space<vmem>> -> memref<128x128xf32, #tpu.memory_space<vmem>>
      %dma_wait3A_185 = arith.constant 0 : i32
      %dma_wait3A_186 = arith.constant 0 : i32
      %dma_wait3A_187 = tpu.memref_slice %arg2[%dma_wait3A_185, %dma_wait3A_186] : memref<10000x128xf32, #tpu.memory_space<hbm>> -> memref<128x128xf32, #tpu.memory_space<hbm>>
      tpu.wait_dma2 semaphore(%arg12 : memref<!tpu.dma_semaphore, #tpu.memory_space<semaphore_mem>>) src(%dma_wait3A_187 : memref<128x128xf32, #tpu.memory_space<hbm>>) dst(%dma_wait3A_184 : memref<128x128xf32, #tpu.memory_space<vmem>>)
      %and3A_188 = arith.constant 1 : i32
      %and3A_189 = arith.andi %sub3A_173, %and3A_188 : i32
      %mul3A_190 = arith.constant 128 : i32
      %mul3A_191 = arith.muli %and3A_189, %mul3A_190 : i32
      %dma_start3A_192 = arith.constant 1 : i32
      %dma_start3A_193 = arith.constant 0 : i32
      %dma_start3A_194 = tpu.memref_slice %arg9[%mul3A_191, %dma_start3A_193] : memref<256x128xf32, #tpu.memory_space<vmem>> -> memref<128x128xf32, #tpu.memory_space<vmem>>
      %dma_start3A_195 = arith.constant 0 : i32
      %dma_start3A_196 = tpu.memref_slice %arg8[%and3A_175, %dma_start3A_192, %dma_start3A_195] : memref<4x2x128xi32, #tpu.memory_space<vmem>> -> memref<1x1x128xi32, #tpu.memory_space<vmem>>
      %dma_start3A_197 = tpu.memref_squeeze %dma_start3A_196 : memref<1x1x128xi32, #tpu.memory_space<vmem>> -> memref<128xi32, #tpu.memory_space<vmem>>
      %dma_start3A_198 = arith.constant 0 : i32
      %dma_start3A_199 = arith.constant 0 : i32
      %dma_start3A_200 = tpu.memref_slice %arg11[%dma_start3A_198, %dma_start3A_199] : memref<10112x128xf32, #tpu.memory_space<vmem_shared>> -> memref<10112x128xf32, #tpu.memory_space<vmem_shared>>
      tpu.enqueue_indirect_dma source(%dma_start3A_194 : memref<128x128xf32, #tpu.memory_space<vmem>>) target(%dma_start3A_200 : memref<10112x128xf32, #tpu.memory_space<vmem_shared>>) offsets(%dma_start3A_197 : memref<128xi32, #tpu.memory_space<vmem>>) semaphore(%arg13 : memref<!tpu.dma_semaphore, #tpu.memory_space<semaphore_mem>>) {add = true}
      %eq3A_201 = arith.constant 0 : i32
      %eq3A_202 = arith.cmpi eq, %and3A_175, %eq3A_201 : i32
      %convert_element_type3A_203 = arith.extui %eq3A_202 : i1 to i32
      %cond3A_204 = arith.constant 0 : i32
      %cond3A_205 = arith.cmpi ne, %convert_element_type3A_203, %cond3A_204 : i32
      scf.if %cond3A_205 {
        %get3A = arith.constant 0 : i32
        %get3A_226 = arith.constant 1 : i32
        %get3A_227 = arith.index_cast %get3A : i32 to index
        %get3A_228 = arith.index_cast %get3A_226 : i32 to index
        %get3A_229 = arith.constant 0 : index
        %get3A_230 = tpu.vector_load %arg8[%get3A_227, %get3A_228, %get3A_229] {strides = array<i32>} : memref<4x2x128xi32, #tpu.memory_space<vmem>>, vector<16xi32>,
        tpu.vector_store_idx %arg10[%get3A_230], %broadcast_in_dim3A_14 {add = true} : memref<10240xf32, #tpu.memory_space<vmem>>[vector<16xi32>], vector<16xf32>,
        %get3A_231 = arith.constant 0 : i32
        %get3A_232 = arith.constant 1 : i32
        %get3A_233 = arith.index_cast %get3A_231 : i32 to index
        %get3A_234 = arith.index_cast %get3A_232 : i32 to index
        %get3A_235 = arith.constant 16 : index
        %get3A_236 = tpu.vector_load %arg8[%get3A_233, %get3A_234, %get3A_235] {strides = array<i32>} : memref<4x2x128xi32, #tpu.memory_space<vmem>>, vector<16xi32>,
        tpu.vector_store_idx %arg10[%get3A_236], %broadcast_in_dim3A_14 {add = true} : memref<10240xf32, #tpu.memory_space<vmem>>[vector<16xi32>], vector<16xf32>,
        %get3A_237 = arith.constant 0 : i32
        %get3A_238 = arith.constant 1 : i32
        %get3A_239 = arith.index_cast %get3A_237 : i32 to index
        %get3A_240 = arith.index_cast %get3A_238 : i32 to index
        %get3A_241 = arith.constant 32 : index
        %get3A_242 = tpu.vector_load %arg8[%get3A_239, %get3A_240, %get3A_241] {strides = array<i32>} : memref<4x2x128xi32, #tpu.memory_space<vmem>>, vector<16xi32>,
        tpu.vector_store_idx %arg10[%get3A_242], %broadcast_in_dim3A_14 {add = true} : memref<10240xf32, #tpu.memory_space<vmem>>[vector<16xi32>], vector<16xf32>,
        %get3A_243 = arith.constant 0 : i32
        %get3A_244 = arith.constant 1 : i32
        %get3A_245 = arith.index_cast %get3A_243 : i32 to index
        %get3A_246 = arith.index_cast %get3A_244 : i32 to index
        %get3A_247 = arith.constant 48 : index
        %get3A_248 = tpu.vector_load %arg8[%get3A_245, %get3A_246, %get3A_247] {strides = array<i32>} : memref<4x2x128xi32, #tpu.memory_space<vmem>>, vector<16xi32>,
        tpu.vector_store_idx %arg10[%get3A_248], %broadcast_in_dim3A_14 {add = true} : memref<10240xf32, #tpu.memory_space<vmem>>[vector<16xi32>], vector<16xf32>,
        %get3A_249 = arith.constant 0 : i32
        %get3A_250 = arith.constant 1 : i32
        %get3A_251 = arith.index_cast %get3A_249 : i32 to index
        %get3A_252 = arith.index_cast %get3A_250 : i32 to index
        %get3A_253 = arith.constant 64 : index
        %get3A_254 = tpu.vector_load %arg8[%get3A_251, %get3A_252, %get3A_253] {strides = array<i32>} : memref<4x2x128xi32, #tpu.memory_space<vmem>>, vector<16xi32>,
        tpu.vector_store_idx %arg10[%get3A_254], %broadcast_in_dim3A_14 {add = true} : memref<10240xf32, #tpu.memory_space<vmem>>[vector<16xi32>], vector<16xf32>,
        %get3A_255 = arith.constant 0 : i32
        %get3A_256 = arith.constant 1 : i32
        %get3A_257 = arith.index_cast %get3A_255 : i32 to index
        %get3A_258 = arith.index_cast %get3A_256 : i32 to index
        %get3A_259 = arith.constant 80 : index
        %get3A_260 = tpu.vector_load %arg8[%get3A_257, %get3A_258, %get3A_259] {strides = array<i32>} : memref<4x2x128xi32, #tpu.memory_space<vmem>>, vector<16xi32>,
        tpu.vector_store_idx %arg10[%get3A_260], %broadcast_in_dim3A_14 {add = true} : memref<10240xf32, #tpu.memory_space<vmem>>[vector<16xi32>], vector<16xf32>,
        %get3A_261 = arith.constant 0 : i32
        %get3A_262 = arith.constant 1 : i32
        %get3A_263 = arith.index_cast %get3A_261 : i32 to index
        %get3A_264 = arith.index_cast %get3A_262 : i32 to index
        %get3A_265 = arith.constant 96 : index
        %get3A_266 = tpu.vector_load %arg8[%get3A_263, %get3A_264, %get3A_265] {strides = array<i32>} : memref<4x2x128xi32, #tpu.memory_space<vmem>>, vector<16xi32>,
        tpu.vector_store_idx %arg10[%get3A_266], %broadcast_in_dim3A_14 {add = true} : memref<10240xf32, #tpu.memory_space<vmem>>[vector<16xi32>], vector<16xf32>,
        %get3A_267 = arith.constant 0 : i32
        %get3A_268 = arith.constant 1 : i32
        %get3A_269 = arith.index_cast %get3A_267 : i32 to index
        %get3A_270 = arith.index_cast %get3A_268 : i32 to index
        %get3A_271 = arith.constant 112 : index
        %get3A_272 = tpu.vector_load %arg8[%get3A_269, %get3A_270, %get3A_271] {strides = array<i32>} : memref<4x2x128xi32, #tpu.memory_space<vmem>>, vector<16xi32>,
        tpu.vector_store_idx %arg10[%get3A_272], %broadcast_in_dim3A_14 {add = true} : memref<10240xf32, #tpu.memory_space<vmem>>[vector<16xi32>], vector<16xf32>,
      } else {
      }
      %eq3A_206 = arith.constant 1 : i32
      %eq3A_207 = arith.cmpi eq, %and3A_175, %eq3A_206 : i32
      %convert_element_type3A_208 = arith.extui %eq3A_207 : i1 to i32
      %cond3A_209 = arith.constant 0 : i32
      %cond3A_210 = arith.cmpi ne, %convert_element_type3A_208, %cond3A_209 : i32
      scf.if %cond3A_210 {
        %get3A = arith.constant 1 : i32
        %get3A_226 = arith.constant 1 : i32
        %get3A_227 = arith.index_cast %get3A : i32 to index
        %get3A_228 = arith.index_cast %get3A_226 : i32 to index
        %get3A_229 = arith.constant 0 : index
        %get3A_230 = tpu.vector_load %arg8[%get3A_227, %get3A_228, %get3A_229] {strides = array<i32>} : memref<4x2x128xi32, #tpu.memory_space<vmem>>, vector<16xi32>,
        tpu.vector_store_idx %arg10[%get3A_230], %broadcast_in_dim3A_14 {add = true} : memref<10240xf32, #tpu.memory_space<vmem>>[vector<16xi32>], vector<16xf32>,
        %get3A_231 = arith.constant 1 : i32
        %get3A_232 = arith.constant 1 : i32
        %get3A_233 = arith.index_cast %get3A_231 : i32 to index
        %get3A_234 = arith.index_cast %get3A_232 : i32 to index
        %get3A_235 = arith.constant 16 : index
        %get3A_236 = tpu.vector_load %arg8[%get3A_233, %get3A_234, %get3A_235] {strides = array<i32>} : memref<4x2x128xi32, #tpu.memory_space<vmem>>, vector<16xi32>,
        tpu.vector_store_idx %arg10[%get3A_236], %broadcast_in_dim3A_14 {add = true} : memref<10240xf32, #tpu.memory_space<vmem>>[vector<16xi32>], vector<16xf32>,
        %get3A_237 = arith.constant 1 : i32
        %get3A_238 = arith.constant 1 : i32
        %get3A_239 = arith.index_cast %get3A_237 : i32 to index
        %get3A_240 = arith.index_cast %get3A_238 : i32 to index
        %get3A_241 = arith.constant 32 : index
        %get3A_242 = tpu.vector_load %arg8[%get3A_239, %get3A_240, %get3A_241] {strides = array<i32>} : memref<4x2x128xi32, #tpu.memory_space<vmem>>, vector<16xi32>,
        tpu.vector_store_idx %arg10[%get3A_242], %broadcast_in_dim3A_14 {add = true} : memref<10240xf32, #tpu.memory_space<vmem>>[vector<16xi32>], vector<16xf32>,
        %get3A_243 = arith.constant 1 : i32
        %get3A_244 = arith.constant 1 : i32
        %get3A_245 = arith.index_cast %get3A_243 : i32 to index
        %get3A_246 = arith.index_cast %get3A_244 : i32 to index
        %get3A_247 = arith.constant 48 : index
        %get3A_248 = tpu.vector_load %arg8[%get3A_245, %get3A_246, %get3A_247] {strides = array<i32>} : memref<4x2x128xi32, #tpu.memory_space<vmem>>, vector<16xi32>,
        tpu.vector_store_idx %arg10[%get3A_248], %broadcast_in_dim3A_14 {add = true} : memref<10240xf32, #tpu.memory_space<vmem>>[vector<16xi32>], vector<16xf32>,
        %get3A_249 = arith.constant 1 : i32
        %get3A_250 = arith.constant 1 : i32
        %get3A_251 = arith.index_cast %get3A_249 : i32 to index
        %get3A_252 = arith.index_cast %get3A_250 : i32 to index
        %get3A_253 = arith.constant 64 : index
        %get3A_254 = tpu.vector_load %arg8[%get3A_251, %get3A_252, %get3A_253] {strides = array<i32>} : memref<4x2x128xi32, #tpu.memory_space<vmem>>, vector<16xi32>,
        tpu.vector_store_idx %arg10[%get3A_254], %broadcast_in_dim3A_14 {add = true} : memref<10240xf32, #tpu.memory_space<vmem>>[vector<16xi32>], vector<16xf32>,
        %get3A_255 = arith.constant 1 : i32
        %get3A_256 = arith.constant 1 : i32
        %get3A_257 = arith.index_cast %get3A_255 : i32 to index
        %get3A_258 = arith.index_cast %get3A_256 : i32 to index
        %get3A_259 = arith.constant 80 : index
        %get3A_260 = tpu.vector_load %arg8[%get3A_257, %get3A_258, %get3A_259] {strides = array<i32>} : memref<4x2x128xi32, #tpu.memory_space<vmem>>, vector<16xi32>,
        tpu.vector_store_idx %arg10[%get3A_260], %broadcast_in_dim3A_14 {add = true} : memref<10240xf32, #tpu.memory_space<vmem>>[vector<16xi32>], vector<16xf32>,
        %get3A_261 = arith.constant 1 : i32
        %get3A_262 = arith.constant 1 : i32
        %get3A_263 = arith.index_cast %get3A_261 : i32 to index
        %get3A_264 = arith.index_cast %get3A_262 : i32 to index
        %get3A_265 = arith.constant 96 : index
        %get3A_266 = tpu.vector_load %arg8[%get3A_263, %get3A_264, %get3A_265] {strides = array<i32>} : memref<4x2x128xi32, #tpu.memory_space<vmem>>, vector<16xi32>,
        tpu.vector_store_idx %arg10[%get3A_266], %broadcast_in_dim3A_14 {add = true} : memref<10240xf32, #tpu.memory_space<vmem>>[vector<16xi32>], vector<16xf32>,
        %get3A_267 = arith.constant 1 : i32
        %get3A_268 = arith.constant 1 : i32
        %get3A_269 = arith.index_cast %get3A_267 : i32 to index
        %get3A_270 = arith.index_cast %get3A_268 : i32 to index
        %get3A_271 = arith.constant 112 : index
        %get3A_272 = tpu.vector_load %arg8[%get3A_269, %get3A_270, %get3A_271] {strides = array<i32>} : memref<4x2x128xi32, #tpu.memory_space<vmem>>, vector<16xi32>,
        tpu.vector_store_idx %arg10[%get3A_272], %broadcast_in_dim3A_14 {add = true} : memref<10240xf32, #tpu.memory_space<vmem>>[vector<16xi32>], vector<16xf32>,
      } else {
      }
      %eq3A_211 = arith.constant 2 : i32
      %eq3A_212 = arith.cmpi eq, %and3A_175, %eq3A_211 : i32
      %convert_element_type3A_213 = arith.extui %eq3A_212 : i1 to i32
      %cond3A_214 = arith.constant 0 : i32
      %cond3A_215 = arith.cmpi ne, %convert_element_type3A_213, %cond3A_214 : i32
      scf.if %cond3A_215 {
        %get3A = arith.constant 2 : i32
        %get3A_226 = arith.constant 1 : i32
        %get3A_227 = arith.index_cast %get3A : i32 to index
        %get3A_228 = arith.index_cast %get3A_226 : i32 to index
        %get3A_229 = arith.constant 0 : index
        %get3A_230 = tpu.vector_load %arg8[%get3A_227, %get3A_228, %get3A_229] {strides = array<i32>} : memref<4x2x128xi32, #tpu.memory_space<vmem>>, vector<16xi32>,
        tpu.vector_store_idx %arg10[%get3A_230], %broadcast_in_dim3A_14 {add = true} : memref<10240xf32, #tpu.memory_space<vmem>>[vector<16xi32>], vector<16xf32>,
        %get3A_231 = arith.constant 2 : i32
        %get3A_232 = arith.constant 1 : i32
        %get3A_233 = arith.index_cast %get3A_231 : i32 to index
        %get3A_234 = arith.index_cast %get3A_232 : i32 to index
        %get3A_235 = arith.constant 16 : index
        %get3A_236 = tpu.vector_load %arg8[%get3A_233, %get3A_234, %get3A_235] {strides = array<i32>} : memref<4x2x128xi32, #tpu.memory_space<vmem>>, vector<16xi32>,
        tpu.vector_store_idx %arg10[%get3A_236], %broadcast_in_dim3A_14 {add = true} : memref<10240xf32, #tpu.memory_space<vmem>>[vector<16xi32>], vector<16xf32>,
        %get3A_237 = arith.constant 2 : i32
        %get3A_238 = arith.constant 1 : i32
        %get3A_239 = arith.index_cast %get3A_237 : i32 to index
        %get3A_240 = arith.index_cast %get3A_238 : i32 to index
        %get3A_241 = arith.constant 32 : index
        %get3A_242 = tpu.vector_load %arg8[%get3A_239, %get3A_240, %get3A_241] {strides = array<i32>} : memref<4x2x128xi32, #tpu.memory_space<vmem>>, vector<16xi32>,
        tpu.vector_store_idx %arg10[%get3A_242], %broadcast_in_dim3A_14 {add = true} : memref<10240xf32, #tpu.memory_space<vmem>>[vector<16xi32>], vector<16xf32>,
        %get3A_243 = arith.constant 2 : i32
        %get3A_244 = arith.constant 1 : i32
        %get3A_245 = arith.index_cast %get3A_243 : i32 to index
        %get3A_246 = arith.index_cast %get3A_244 : i32 to index
        %get3A_247 = arith.constant 48 : index
        %get3A_248 = tpu.vector_load %arg8[%get3A_245, %get3A_246, %get3A_247] {strides = array<i32>} : memref<4x2x128xi32, #tpu.memory_space<vmem>>, vector<16xi32>,
        tpu.vector_store_idx %arg10[%get3A_248], %broadcast_in_dim3A_14 {add = true} : memref<10240xf32, #tpu.memory_space<vmem>>[vector<16xi32>], vector<16xf32>,
        %get3A_249 = arith.constant 2 : i32
        %get3A_250 = arith.constant 1 : i32
        %get3A_251 = arith.index_cast %get3A_249 : i32 to index
        %get3A_252 = arith.index_cast %get3A_250 : i32 to index
        %get3A_253 = arith.constant 64 : index
        %get3A_254 = tpu.vector_load %arg8[%get3A_251, %get3A_252, %get3A_253] {strides = array<i32>} : memref<4x2x128xi32, #tpu.memory_space<vmem>>, vector<16xi32>,
        tpu.vector_store_idx %arg10[%get3A_254], %broadcast_in_dim3A_14 {add = true} : memref<10240xf32, #tpu.memory_space<vmem>>[vector<16xi32>], vector<16xf32>,
        %get3A_255 = arith.constant 2 : i32
        %get3A_256 = arith.constant 1 : i32
        %get3A_257 = arith.index_cast %get3A_255 : i32 to index
        %get3A_258 = arith.index_cast %get3A_256 : i32 to index
        %get3A_259 = arith.constant 80 : index
        %get3A_260 = tpu.vector_load %arg8[%get3A_257, %get3A_258, %get3A_259] {strides = array<i32>} : memref<4x2x128xi32, #tpu.memory_space<vmem>>, vector<16xi32>,
        tpu.vector_store_idx %arg10[%get3A_260], %broadcast_in_dim3A_14 {add = true} : memref<10240xf32, #tpu.memory_space<vmem>>[vector<16xi32>], vector<16xf32>,
        %get3A_261 = arith.constant 2 : i32
        %get3A_262 = arith.constant 1 : i32
        %get3A_263 = arith.index_cast %get3A_261 : i32 to index
        %get3A_264 = arith.index_cast %get3A_262 : i32 to index
        %get3A_265 = arith.constant 96 : index
        %get3A_266 = tpu.vector_load %arg8[%get3A_263, %get3A_264, %get3A_265] {strides = array<i32>} : memref<4x2x128xi32, #tpu.memory_space<vmem>>, vector<16xi32>,
        tpu.vector_store_idx %arg10[%get3A_266], %broadcast_in_dim3A_14 {add = true} : memref<10240xf32, #tpu.memory_space<vmem>>[vector<16xi32>], vector<16xf32>,
        %get3A_267 = arith.constant 2 : i32
        %get3A_268 = arith.constant 1 : i32
        %get3A_269 = arith.index_cast %get3A_267 : i32 to index
        %get3A_270 = arith.index_cast %get3A_268 : i32 to index
        %get3A_271 = arith.constant 112 : index
        %get3A_272 = tpu.vector_load %arg8[%get3A_269, %get3A_270, %get3A_271] {strides = array<i32>} : memref<4x2x128xi32, #tpu.memory_space<vmem>>, vector<16xi32>,
        tpu.vector_store_idx %arg10[%get3A_272], %broadcast_in_dim3A_14 {add = true} : memref<10240xf32, #tpu.memory_space<vmem>>[vector<16xi32>], vector<16xf32>,
      } else {
      }
      %eq3A_216 = arith.constant 3 : i32
      %eq3A_217 = arith.cmpi eq, %and3A_175, %eq3A_216 : i32
      %convert_element_type3A_218 = arith.extui %eq3A_217 : i1 to i32
      %cond3A_219 = arith.constant 0 : i32
      %cond3A_220 = arith.cmpi ne, %convert_element_type3A_218, %cond3A_219 : i32
      scf.if %cond3A_220 {
        %get3A = arith.constant 3 : i32
        %get3A_226 = arith.constant 1 : i32
        %get3A_227 = arith.index_cast %get3A : i32 to index
        %get3A_228 = arith.index_cast %get3A_226 : i32 to index
        %get3A_229 = arith.constant 0 : index
        %get3A_230 = tpu.vector_load %arg8[%get3A_227, %get3A_228, %get3A_229] {strides = array<i32>} : memref<4x2x128xi32, #tpu.memory_space<vmem>>, vector<16xi32>,
        tpu.vector_store_idx %arg10[%get3A_230], %broadcast_in_dim3A_14 {add = true} : memref<10240xf32, #tpu.memory_space<vmem>>[vector<16xi32>], vector<16xf32>,
        %get3A_231 = arith.constant 3 : i32
        %get3A_232 = arith.constant 1 : i32
        %get3A_233 = arith.index_cast %get3A_231 : i32 to index
        %get3A_234 = arith.index_cast %get3A_232 : i32 to index
        %get3A_235 = arith.constant 16 : index
        %get3A_236 = tpu.vector_load %arg8[%get3A_233, %get3A_234, %get3A_235] {strides = array<i32>} : memref<4x2x128xi32, #tpu.memory_space<vmem>>, vector<16xi32>,
        tpu.vector_store_idx %arg10[%get3A_236], %broadcast_in_dim3A_14 {add = true} : memref<10240xf32, #tpu.memory_space<vmem>>[vector<16xi32>], vector<16xf32>,
        %get3A_237 = arith.constant 3 : i32
        %get3A_238 = arith.constant 1 : i32
        %get3A_239 = arith.index_cast %get3A_237 : i32 to index
        %get3A_240 = arith.index_cast %get3A_238 : i32 to index
        %get3A_241 = arith.constant 32 : index
        %get3A_242 = tpu.vector_load %arg8[%get3A_239, %get3A_240, %get3A_241] {strides = array<i32>} : memref<4x2x128xi32, #tpu.memory_space<vmem>>, vector<16xi32>,
        tpu.vector_store_idx %arg10[%get3A_242], %broadcast_in_dim3A_14 {add = true} : memref<10240xf32, #tpu.memory_space<vmem>>[vector<16xi32>], vector<16xf32>,
        %get3A_243 = arith.constant 3 : i32
        %get3A_244 = arith.constant 1 : i32
        %get3A_245 = arith.index_cast %get3A_243 : i32 to index
        %get3A_246 = arith.index_cast %get3A_244 : i32 to index
        %get3A_247 = arith.constant 48 : index
        %get3A_248 = tpu.vector_load %arg8[%get3A_245, %get3A_246, %get3A_247] {strides = array<i32>} : memref<4x2x128xi32, #tpu.memory_space<vmem>>, vector<16xi32>,
        tpu.vector_store_idx %arg10[%get3A_248], %broadcast_in_dim3A_14 {add = true} : memref<10240xf32, #tpu.memory_space<vmem>>[vector<16xi32>], vector<16xf32>,
        %get3A_249 = arith.constant 3 : i32
        %get3A_250 = arith.constant 1 : i32
        %get3A_251 = arith.index_cast %get3A_249 : i32 to index
        %get3A_252 = arith.index_cast %get3A_250 : i32 to index
        %get3A_253 = arith.constant 64 : index
        %get3A_254 = tpu.vector_load %arg8[%get3A_251, %get3A_252, %get3A_253] {strides = array<i32>} : memref<4x2x128xi32, #tpu.memory_space<vmem>>, vector<16xi32>,
        tpu.vector_store_idx %arg10[%get3A_254], %broadcast_in_dim3A_14 {add = true} : memref<10240xf32, #tpu.memory_space<vmem>>[vector<16xi32>], vector<16xf32>,
        %get3A_255 = arith.constant 3 : i32
        %get3A_256 = arith.constant 1 : i32
        %get3A_257 = arith.index_cast %get3A_255 : i32 to index
        %get3A_258 = arith.index_cast %get3A_256 : i32 to index
        %get3A_259 = arith.constant 80 : index
        %get3A_260 = tpu.vector_load %arg8[%get3A_257, %get3A_258, %get3A_259] {strides = array<i32>} : memref<4x2x128xi32, #tpu.memory_space<vmem>>, vector<16xi32>,
        tpu.vector_store_idx %arg10[%get3A_260], %broadcast_in_dim3A_14 {add = true} : memref<10240xf32, #tpu.memory_space<vmem>>[vector<16xi32>], vector<16xf32>,
        %get3A_261 = arith.constant 3 : i32
        %get3A_262 = arith.constant 1 : i32
        %get3A_263 = arith.index_cast %get3A_261 : i32 to index
        %get3A_264 = arith.index_cast %get3A_262 : i32 to index
        %get3A_265 = arith.constant 96 : index
        %get3A_266 = tpu.vector_load %arg8[%get3A_263, %get3A_264, %get3A_265] {strides = array<i32>} : memref<4x2x128xi32, #tpu.memory_space<vmem>>, vector<16xi32>,
        tpu.vector_store_idx %arg10[%get3A_266], %broadcast_in_dim3A_14 {add = true} : memref<10240xf32, #tpu.memory_space<vmem>>[vector<16xi32>], vector<16xf32>,
        %get3A_267 = arith.constant 3 : i32
        %get3A_268 = arith.constant 1 : i32
        %get3A_269 = arith.index_cast %get3A_267 : i32 to index
        %get3A_270 = arith.index_cast %get3A_268 : i32 to index
        %get3A_271 = arith.constant 112 : index
        %get3A_272 = tpu.vector_load %arg8[%get3A_269, %get3A_270, %get3A_271] {strides = array<i32>} : memref<4x2x128xi32, #tpu.memory_space<vmem>>, vector<16xi32>,
        tpu.vector_store_idx %arg10[%get3A_272], %broadcast_in_dim3A_14 {add = true} : memref<10240xf32, #tpu.memory_space<vmem>>[vector<16xi32>], vector<16xf32>,
      } else {
      }
      %add3A_221 = arith.constant 1 : i32
      %add3A_222 = arith.addi %while3A_134, %add3A_221 : i32
      %lt3A = arith.cmpi slt, %add3A_222, %select_n3A : i32
      %convert_element_type3A_223 = arith.extui %lt3A : i1 to i32
      %cond3A_224 = arith.constant 0 : i32
      %cond3A_225 = arith.cmpi ne, %convert_element_type3A_223, %cond3A_224 : i32
      scf.if %cond3A_225 {
        %add3A_226 = arith.constant 1 : i32
        %add3A_227 = arith.addi %while3A_134, %add3A_226 : i32
        %add3A_228 = arith.addi %select_n3A_11, %add3A_227 : i32
        %and3A_229 = arith.constant 3 : i32
        %and3A_230 = arith.andi %add3A_227, %and3A_229 : i32
        %dma_start3A_231 = arith.constant 0 : i32
        %dma_start3A_232 = arith.constant 0 : i32
        %dma_start3A_233 = tpu.memref_slice %arg8[%and3A_230, %dma_start3A_231, %dma_start3A_232] : memref<4x2x128xi32, #tpu.memory_space<vmem>> -> memref<1x2x128xi32, #tpu.memory_space<vmem>>
        %dma_start3A_234 = tpu.memref_squeeze %dma_start3A_233 : memref<1x2x128xi32, #tpu.memory_space<vmem>> -> memref<2x128xi32, #tpu.memory_space<vmem>>
        %dma_start3A_235 = arith.constant 0 : i32
        %dma_start3A_236 = arith.constant 0 : i32
        %dma_start3A_237 = tpu.memref_slice %arg3[%add3A_228, %dma_start3A_235, %dma_start3A_236] : memref<2528x2x128xi32, #tpu.memory_space<hbm>> -> memref<1x2x128xi32, #tpu.memory_space<hbm>>
        %dma_start3A_238 = tpu.memref_squeeze %dma_start3A_237 : memref<1x2x128xi32, #tpu.memory_space<hbm>> -> memref<2x128xi32, #tpu.memory_space<hbm>>
        %dma_start3A_239 = arith.constant 0 : i32
        %dma_start3A_240 = arith.constant 0 : i32
        %dma_start3A_241 = tpu.memref_slice %arg8[%and3A_230, %dma_start3A_239, %dma_start3A_240] : memref<4x2x128xi32, #tpu.memory_space<vmem>> -> memref<1x2x128xi32, #tpu.memory_space<vmem>>
        %dma_start3A_242 = tpu.memref_squeeze %dma_start3A_241 : memref<1x2x128xi32, #tpu.memory_space<vmem>> -> memref<2x128xi32, #tpu.memory_space<vmem>>
        %dma_start3A_243 = arith.constant 0 : i32
        %dma_start3A_244 = arith.constant 0 : i32
        %dma_start3A_245 = tpu.memref_slice %arg3[%add3A_228, %dma_start3A_243, %dma_start3A_244] : memref<2528x2x128xi32, #tpu.memory_space<hbm>> -> memref<1x2x128xi32, #tpu.memory_space<hbm>>
        %dma_start3A_246 = tpu.memref_squeeze %dma_start3A_245 : memref<1x2x128xi32, #tpu.memory_space<hbm>> -> memref<2x128xi32, #tpu.memory_space<hbm>>
        tpu.enqueue_dma source(%dma_start3A_246 : memref<2x128xi32, #tpu.memory_space<hbm>>) target(%dma_start3A_242 : memref<2x128xi32, #tpu.memory_space<vmem>>) target_semaphore(%arg14 : memref<!tpu.dma_semaphore, #tpu.memory_space<semaphore_mem>>)
      } else {
      }
    }
    %while3A_59 = arith.constant 1 : i32
    scf.for %while3A_134 = %while3A_57 to %while3A_53 step %while3A_59  : i32 {
      %ge3A = arith.constant 2 : i32
      %ge3A_135 = arith.cmpi sge, %while3A_134, %ge3A : i32
      %convert_element_type3A_136 = arith.extui %ge3A_135 : i1 to i32
      %cond3A_137 = arith.constant 0 : i32
      %cond3A_138 = arith.cmpi ne, %convert_element_type3A_136, %cond3A_137 : i32
      scf.if %cond3A_138 {
        %dma_wait3A_226 = arith.constant 0 : i32
        %dma_wait3A_227 = arith.constant 0 : i32
        %dma_wait3A_228 = tpu.memref_slice %arg9[%dma_wait3A_226, %dma_wait3A_227] : memref<256x128xf32, #tpu.memory_space<vmem>> -> memref<128x128xf32, #tpu.memory_space<vmem>>
        %dma_wait3A_229 = arith.constant 0 : i32
        %dma_wait3A_230 = arith.constant 0 : i32
        %dma_wait3A_231 = tpu.memref_slice %arg2[%dma_wait3A_229, %dma_wait3A_230] : memref<10000x128xf32, #tpu.memory_space<hbm>> -> memref<128x128xf32, #tpu.memory_space<hbm>>
        %dma_wait3A_232 = arith.constant 0 : i32
        %dma_wait3A_233 = arith.constant 0 : i32
        %dma_wait3A_234 = tpu.memref_slice %arg9[%dma_wait3A_232, %dma_wait3A_233] : memref<256x128xf32, #tpu.memory_space<vmem>> -> memref<128x128xf32, #tpu.memory_space<vmem>>
        %dma_wait3A_235 = arith.constant 0 : i32
        %dma_wait3A_236 = arith.constant 0 : i32
        %dma_wait3A_237 = tpu.memref_slice %arg2[%dma_wait3A_235, %dma_wait3A_236] : memref<10000x128xf32, #tpu.memory_space<hbm>> -> memref<128x128xf32, #tpu.memory_space<hbm>>
        tpu.wait_dma2 semaphore(%arg13 : memref<!tpu.dma_semaphore, #tpu.memory_space<semaphore_mem>>) src(%dma_wait3A_237 : memref<128x128xf32, #tpu.memory_space<hbm>>) dst(%dma_wait3A_234 : memref<128x128xf32, #tpu.memory_space<vmem>>)
      } else {
      }
      %dma_wait3A_139 = arith.constant 0 : i32
      %dma_wait3A_140 = arith.constant 0 : i32
      %dma_wait3A_141 = arith.constant 0 : i32
      %dma_wait3A_142 = arith.constant 0 : i32
      %dma_wait3A_143 = tpu.memref_slice %arg8[%dma_wait3A_140, %dma_wait3A_141, %dma_wait3A_142] : memref<4x2x128xi32, #tpu.memory_space<vmem>> -> memref<1x2x128xi32, #tpu.memory_space<vmem>>
      %dma_wait3A_144 = tpu.memref_squeeze %dma_wait3A_143 : memref<1x2x128xi32, #tpu.memory_space<vmem>> -> memref<2x128xi32, #tpu.memory_space<vmem>>
      %dma_wait3A_145 = arith.constant 0 : i32
      %dma_wait3A_146 = arith.constant 0 : i32
      %dma_wait3A_147 = tpu.memref_slice %arg3[%dma_wait3A_139, %dma_wait3A_145, %dma_wait3A_146] : memref<2528x2x128xi32, #tpu.memory_space<hbm>> -> memref<1x2x128xi32, #tpu.memory_space<hbm>>
      %dma_wait3A_148 = tpu.memref_squeeze %dma_wait3A_147 : memref<1x2x128xi32, #tpu.memory_space<hbm>> -> memref<2x128xi32, #tpu.memory_space<hbm>>
      %dma_wait3A_149 = arith.constant 0 : i32
      %dma_wait3A_150 = arith.constant 0 : i32
      %dma_wait3A_151 = tpu.memref_slice %arg8[%dma_wait3A_140, %dma_wait3A_149, %dma_wait3A_150] : memref<4x2x128xi32, #tpu.memory_space<vmem>> -> memref<1x2x128xi32, #tpu.memory_space<vmem>>
      %dma_wait3A_152 = tpu.memref_squeeze %dma_wait3A_151 : memref<1x2x128xi32, #tpu.memory_space<vmem>> -> memref<2x128xi32, #tpu.memory_space<vmem>>
      %dma_wait3A_153 = arith.constant 0 : i32
      %dma_wait3A_154 = arith.constant 0 : i32
      %dma_wait3A_155 = tpu.memref_slice %arg3[%dma_wait3A_139, %dma_wait3A_153, %dma_wait3A_154] : memref<2528x2x128xi32, #tpu.memory_space<hbm>> -> memref<1x2x128xi32, #tpu.memory_space<hbm>>
      %dma_wait3A_156 = tpu.memref_squeeze %dma_wait3A_155 : memref<1x2x128xi32, #tpu.memory_space<hbm>> -> memref<2x128xi32, #tpu.memory_space<hbm>>
      tpu.wait_dma2 semaphore(%arg14 : memref<!tpu.dma_semaphore, #tpu.memory_space<semaphore_mem>>) src(%dma_wait3A_156 : memref<2x128xi32, #tpu.memory_space<hbm>>) dst(%dma_wait3A_152 : memref<2x128xi32, #tpu.memory_space<vmem>>)
      %and3A_157 = arith.constant 3 : i32
      %and3A_158 = arith.andi %while3A_134, %and3A_157 : i32
      %and3A_159 = arith.constant 1 : i32
      %and3A_160 = arith.andi %while3A_134, %and3A_159 : i32
      %mul3A_161 = arith.constant 128 : i32
      %mul3A_162 = arith.muli %and3A_160, %mul3A_161 : i32
      %dma_start3A_163 = arith.constant 0 : i32
      %dma_start3A_164 = arith.constant 0 : i32
      %dma_start3A_165 = tpu.memref_slice %arg9[%mul3A_162, %dma_start3A_164] : memref<256x128xf32, #tpu.memory_space<vmem>> -> memref<128x128xf32, #tpu.memory_space<vmem>>
      %dma_start3A_166 = arith.constant 0 : i32
      %dma_start3A_167 = tpu.memref_slice %arg8[%and3A_158, %dma_start3A_163, %dma_start3A_166] : memref<4x2x128xi32, #tpu.memory_space<vmem>> -> memref<1x1x128xi32, #tpu.memory_space<vmem>>
      %dma_start3A_168 = tpu.memref_squeeze %dma_start3A_167 : memref<1x1x128xi32, #tpu.memory_space<vmem>> -> memref<128xi32, #tpu.memory_space<vmem>>
      %dma_start3A_169 = arith.constant 0 : i32
      %dma_start3A_170 = arith.constant 0 : i32
      %dma_start3A_171 = tpu.memref_slice %arg2[%dma_start3A_169, %dma_start3A_170] : memref<10000x128xf32, #tpu.memory_space<hbm>> -> memref<10000x128xf32, #tpu.memory_space<hbm>>
      tpu.enqueue_indirect_dma source(%dma_start3A_171 : memref<10000x128xf32, #tpu.memory_space<hbm>>) target(%dma_start3A_165 : memref<128x128xf32, #tpu.memory_space<vmem>>) offsets(%dma_start3A_168 : memref<128xi32, #tpu.memory_space<vmem>>) semaphore(%arg12 : memref<!tpu.dma_semaphore, #tpu.memory_space<semaphore_mem>>)
      %sub3A_172 = arith.constant 1 : i32
      %sub3A_173 = arith.subi %while3A_134, %sub3A_172 : i32
      %and3A_174 = arith.constant 3 : i32
      %and3A_175 = arith.andi %sub3A_173, %and3A_174 : i32
      %dma_wait3A_176 = arith.constant 0 : i32
      %dma_wait3A_177 = arith.constant 0 : i32
      %dma_wait3A_178 = tpu.memref_slice %arg9[%dma_wait3A_176, %dma_wait3A_177] : memref<256x128xf32, #tpu.memory_space<vmem>> -> memref<128x128xf32, #tpu.memory_space<vmem>>
      %dma_wait3A_179 = arith.constant 0 : i32
      %dma_wait3A_180 = arith.constant 0 : i32
      %dma_wait3A_181 = tpu.memref_slice %arg2[%dma_wait3A_179, %dma_wait3A_180] : memref<10000x128xf32, #tpu.memory_space<hbm>> -> memref<128x128xf32, #tpu.memory_space<hbm>>
      %dma_wait3A_182 = arith.constant 0 : i32
      %dma_wait3A_183 = arith.constant 0 : i32
      %dma_wait3A_184 = tpu.memref_slice %arg9[%dma_wait3A_182, %dma_wait3A_183] : memref<256x128xf32, #tpu.memory_space<vmem>> -> memref<128x128xf32, #tpu.memory_space<vmem>>
      %dma_wait3A_185 = arith.constant 0 : i32
      %dma_wait3A_186 = arith.constant 0 : i32
      %dma_wait3A_187 = tpu.memref_slice %arg2[%dma_wait3A_185, %dma_wait3A_186] : memref<10000x128xf32, #tpu.memory_space<hbm>> -> memref<128x128xf32, #tpu.memory_space<hbm>>
      tpu.wait_dma2 semaphore(%arg12 : memref<!tpu.dma_semaphore, #tpu.memory_space<semaphore_mem>>) src(%dma_wait3A_187 : memref<128x128xf32, #tpu.memory_space<hbm>>) dst(%dma_wait3A_184 : memref<128x128xf32, #tpu.memory_space<vmem>>)
      %and3A_188 = arith.constant 1 : i32
      %and3A_189 = arith.andi %sub3A_173, %and3A_188 : i32
      %mul3A_190 = arith.constant 128 : i32
      %mul3A_191 = arith.muli %and3A_189, %mul3A_190 : i32
      %dma_start3A_192 = arith.constant 1 : i32
      %dma_start3A_193 = arith.constant 0 : i32
      %dma_start3A_194 = tpu.memref_slice %arg9[%mul3A_191, %dma_start3A_193] : memref<256x128xf32, #tpu.memory_space<vmem>> -> memref<128x128xf32, #tpu.memory_space<vmem>>
      %dma_start3A_195 = arith.constant 0 : i32
      %dma_start3A_196 = tpu.memref_slice %arg8[%and3A_175, %dma_start3A_192, %dma_start3A_195] : memref<4x2x128xi32, #tpu.memory_space<vmem>> -> memref<1x1x128xi32, #tpu.memory_space<vmem>>
      %dma_start3A_197 = tpu.memref_squeeze %dma_start3A_196 : memref<1x1x128xi32, #tpu.memory_space<vmem>> -> memref<128xi32, #tpu.memory_space<vmem>>
      %dma_start3A_198 = arith.constant 0 : i32
      %dma_start3A_199 = arith.constant 0 : i32
      %dma_start3A_200 = tpu.memref_slice %arg11[%dma_start3A_198, %dma_start3A_199] : memref<10112x128xf32, #tpu.memory_space<vmem_shared>> -> memref<10112x128xf32, #tpu.memory_space<vmem_shared>>
      tpu.enqueue_indirect_dma source(%dma_start3A_194 : memref<128x128xf32, #tpu.memory_space<vmem>>) target(%dma_start3A_200 : memref<10112x128xf32, #tpu.memory_space<vmem_shared>>) offsets(%dma_start3A_197 : memref<128xi32, #tpu.memory_space<vmem>>) semaphore(%arg13 : memref<!tpu.dma_semaphore, #tpu.memory_space<semaphore_mem>>) {add = true}
      %eq3A_201 = arith.constant 0 : i32
      %eq3A_202 = arith.cmpi eq, %and3A_175, %eq3A_201 : i32
      %convert_element_type3A_203 = arith.extui %eq3A_202 : i1 to i32
      %cond3A_204 = arith.constant 0 : i32
      %cond3A_205 = arith.cmpi ne, %convert_element_type3A_203, %cond3A_204 : i32
      scf.if %cond3A_205 {
        %get3A = arith.constant 0 : i32
        %get3A_226 = arith.constant 1 : i32
        %get3A_227 = arith.index_cast %get3A : i32 to index
        %get3A_228 = arith.index_cast %get3A_226 : i32 to index
        %get3A_229 = arith.constant 0 : index
        %get3A_230 = tpu.vector_load %arg8[%get3A_227, %get3A_228, %get3A_229] {strides = array<i32>} : memref<4x2x128xi32, #tpu.memory_space<vmem>>, vector<16xi32>,
        tpu.vector_store_idx %arg10[%get3A_230], %broadcast_in_dim3A_14 {add = true} : memref<10240xf32, #tpu.memory_space<vmem>>[vector<16xi32>], vector<16xf32>,
        %get3A_231 = arith.constant 0 : i32
        %get3A_232 = arith.constant 1 : i32
        %get3A_233 = arith.index_cast %get3A_231 : i32 to index
        %get3A_234 = arith.index_cast %get3A_232 : i32 to index
        %get3A_235 = arith.constant 16 : index
        %get3A_236 = tpu.vector_load %arg8[%get3A_233, %get3A_234, %get3A_235] {strides = array<i32>} : memref<4x2x128xi32, #tpu.memory_space<vmem>>, vector<16xi32>,
        tpu.vector_store_idx %arg10[%get3A_236], %broadcast_in_dim3A_14 {add = true} : memref<10240xf32, #tpu.memory_space<vmem>>[vector<16xi32>], vector<16xf32>,
        %get3A_237 = arith.constant 0 : i32
        %get3A_238 = arith.constant 1 : i32
        %get3A_239 = arith.index_cast %get3A_237 : i32 to index
        %get3A_240 = arith.index_cast %get3A_238 : i32 to index
        %get3A_241 = arith.constant 32 : index
        %get3A_242 = tpu.vector_load %arg8[%get3A_239, %get3A_240, %get3A_241] {strides = array<i32>} : memref<4x2x128xi32, #tpu.memory_space<vmem>>, vector<16xi32>,
        tpu.vector_store_idx %arg10[%get3A_242], %broadcast_in_dim3A_14 {add = true} : memref<10240xf32, #tpu.memory_space<vmem>>[vector<16xi32>], vector<16xf32>,
        %get3A_243 = arith.constant 0 : i32
        %get3A_244 = arith.constant 1 : i32
        %get3A_245 = arith.index_cast %get3A_243 : i32 to index
        %get3A_246 = arith.index_cast %get3A_244 : i32 to index
        %get3A_247 = arith.constant 48 : index
        %get3A_248 = tpu.vector_load %arg8[%get3A_245, %get3A_246, %get3A_247] {strides = array<i32>} : memref<4x2x128xi32, #tpu.memory_space<vmem>>, vector<16xi32>,
        tpu.vector_store_idx %arg10[%get3A_248], %broadcast_in_dim3A_14 {add = true} : memref<10240xf32, #tpu.memory_space<vmem>>[vector<16xi32>], vector<16xf32>,
        %get3A_249 = arith.constant 0 : i32
        %get3A_250 = arith.constant 1 : i32
        %get3A_251 = arith.index_cast %get3A_249 : i32 to index
        %get3A_252 = arith.index_cast %get3A_250 : i32 to index
        %get3A_253 = arith.constant 64 : index
        %get3A_254 = tpu.vector_load %arg8[%get3A_251, %get3A_252, %get3A_253] {strides = array<i32>} : memref<4x2x128xi32, #tpu.memory_space<vmem>>, vector<16xi32>,
        tpu.vector_store_idx %arg10[%get3A_254], %broadcast_in_dim3A_14 {add = true} : memref<10240xf32, #tpu.memory_space<vmem>>[vector<16xi32>], vector<16xf32>,
        %get3A_255 = arith.constant 0 : i32
        %get3A_256 = arith.constant 1 : i32
        %get3A_257 = arith.index_cast %get3A_255 : i32 to index
        %get3A_258 = arith.index_cast %get3A_256 : i32 to index
        %get3A_259 = arith.constant 80 : index
        %get3A_260 = tpu.vector_load %arg8[%get3A_257, %get3A_258, %get3A_259] {strides = array<i32>} : memref<4x2x128xi32, #tpu.memory_space<vmem>>, vector<16xi32>,
        tpu.vector_store_idx %arg10[%get3A_260], %broadcast_in_dim3A_14 {add = true} : memref<10240xf32, #tpu.memory_space<vmem>>[vector<16xi32>], vector<16xf32>,
        %get3A_261 = arith.constant 0 : i32
        %get3A_262 = arith.constant 1 : i32
        %get3A_263 = arith.index_cast %get3A_261 : i32 to index
        %get3A_264 = arith.index_cast %get3A_262 : i32 to index
        %get3A_265 = arith.constant 96 : index
        %get3A_266 = tpu.vector_load %arg8[%get3A_263, %get3A_264, %get3A_265] {strides = array<i32>} : memref<4x2x128xi32, #tpu.memory_space<vmem>>, vector<16xi32>,
        tpu.vector_store_idx %arg10[%get3A_266], %broadcast_in_dim3A_14 {add = true} : memref<10240xf32, #tpu.memory_space<vmem>>[vector<16xi32>], vector<16xf32>,
        %get3A_267 = arith.constant 0 : i32
        %get3A_268 = arith.constant 1 : i32
        %get3A_269 = arith.index_cast %get3A_267 : i32 to index
        %get3A_270 = arith.index_cast %get3A_268 : i32 to index
        %get3A_271 = arith.constant 112 : index
        %get3A_272 = tpu.vector_load %arg8[%get3A_269, %get3A_270, %get3A_271] {strides = array<i32>} : memref<4x2x128xi32, #tpu.memory_space<vmem>>, vector<16xi32>,
        tpu.vector_store_idx %arg10[%get3A_272], %broadcast_in_dim3A_14 {add = true} : memref<10240xf32, #tpu.memory_space<vmem>>[vector<16xi32>], vector<16xf32>,
      } else {
      }
      %eq3A_206 = arith.constant 1 : i32
      %eq3A_207 = arith.cmpi eq, %and3A_175, %eq3A_206 : i32
      %convert_element_type3A_208 = arith.extui %eq3A_207 : i1 to i32
      %cond3A_209 = arith.constant 0 : i32
      %cond3A_210 = arith.cmpi ne, %convert_element_type3A_208, %cond3A_209 : i32
      scf.if %cond3A_210 {
        %get3A = arith.constant 1 : i32
        %get3A_226 = arith.constant 1 : i32
        %get3A_227 = arith.index_cast %get3A : i32 to index
        %get3A_228 = arith.index_cast %get3A_226 : i32 to index
        %get3A_229 = arith.constant 0 : index
        %get3A_230 = tpu.vector_load %arg8[%get3A_227, %get3A_228, %get3A_229] {strides = array<i32>} : memref<4x2x128xi32, #tpu.memory_space<vmem>>, vector<16xi32>,
        tpu.vector_store_idx %arg10[%get3A_230], %broadcast_in_dim3A_14 {add = true} : memref<10240xf32, #tpu.memory_space<vmem>>[vector<16xi32>], vector<16xf32>,
        %get3A_231 = arith.constant 1 : i32
        %get3A_232 = arith.constant 1 : i32
        %get3A_233 = arith.index_cast %get3A_231 : i32 to index
        %get3A_234 = arith.index_cast %get3A_232 : i32 to index
        %get3A_235 = arith.constant 16 : index
        %get3A_236 = tpu.vector_load %arg8[%get3A_233, %get3A_234, %get3A_235] {strides = array<i32>} : memref<4x2x128xi32, #tpu.memory_space<vmem>>, vector<16xi32>,
        tpu.vector_store_idx %arg10[%get3A_236], %broadcast_in_dim3A_14 {add = true} : memref<10240xf32, #tpu.memory_space<vmem>>[vector<16xi32>], vector<16xf32>,
        %get3A_237 = arith.constant 1 : i32
        %get3A_238 = arith.constant 1 : i32
        %get3A_239 = arith.index_cast %get3A_237 : i32 to index
        %get3A_240 = arith.index_cast %get3A_238 : i32 to index
        %get3A_241 = arith.constant 32 : index
        %get3A_242 = tpu.vector_load %arg8[%get3A_239, %get3A_240, %get3A_241] {strides = array<i32>} : memref<4x2x128xi32, #tpu.memory_space<vmem>>, vector<16xi32>,
        tpu.vector_store_idx %arg10[%get3A_242], %broadcast_in_dim3A_14 {add = true} : memref<10240xf32, #tpu.memory_space<vmem>>[vector<16xi32>], vector<16xf32>,
        %get3A_243 = arith.constant 1 : i32
        %get3A_244 = arith.constant 1 : i32
        %get3A_245 = arith.index_cast %get3A_243 : i32 to index
        %get3A_246 = arith.index_cast %get3A_244 : i32 to index
        %get3A_247 = arith.constant 48 : index
        %get3A_248 = tpu.vector_load %arg8[%get3A_245, %get3A_246, %get3A_247] {strides = array<i32>} : memref<4x2x128xi32, #tpu.memory_space<vmem>>, vector<16xi32>,
        tpu.vector_store_idx %arg10[%get3A_248], %broadcast_in_dim3A_14 {add = true} : memref<10240xf32, #tpu.memory_space<vmem>>[vector<16xi32>], vector<16xf32>,
        %get3A_249 = arith.constant 1 : i32
        %get3A_250 = arith.constant 1 : i32
        %get3A_251 = arith.index_cast %get3A_249 : i32 to index
        %get3A_252 = arith.index_cast %get3A_250 : i32 to index
        %get3A_253 = arith.constant 64 : index
        %get3A_254 = tpu.vector_load %arg8[%get3A_251, %get3A_252, %get3A_253] {strides = array<i32>} : memref<4x2x128xi32, #tpu.memory_space<vmem>>, vector<16xi32>,
        tpu.vector_store_idx %arg10[%get3A_254], %broadcast_in_dim3A_14 {add = true} : memref<10240xf32, #tpu.memory_space<vmem>>[vector<16xi32>], vector<16xf32>,
        %get3A_255 = arith.constant 1 : i32
        %get3A_256 = arith.constant 1 : i32
        %get3A_257 = arith.index_cast %get3A_255 : i32 to index
        %get3A_258 = arith.index_cast %get3A_256 : i32 to index
        %get3A_259 = arith.constant 80 : index
        %get3A_260 = tpu.vector_load %arg8[%get3A_257, %get3A_258, %get3A_259] {strides = array<i32>} : memref<4x2x128xi32, #tpu.memory_space<vmem>>, vector<16xi32>,
        tpu.vector_store_idx %arg10[%get3A_260], %broadcast_in_dim3A_14 {add = true} : memref<10240xf32, #tpu.memory_space<vmem>>[vector<16xi32>], vector<16xf32>,
        %get3A_261 = arith.constant 1 : i32
        %get3A_262 = arith.constant 1 : i32
        %get3A_263 = arith.index_cast %get3A_261 : i32 to index
        %get3A_264 = arith.index_cast %get3A_262 : i32 to index
        %get3A_265 = arith.constant 96 : index
        %get3A_266 = tpu.vector_load %arg8[%get3A_263, %get3A_264, %get3A_265] {strides = array<i32>} : memref<4x2x128xi32, #tpu.memory_space<vmem>>, vector<16xi32>,
        tpu.vector_store_idx %arg10[%get3A_266], %broadcast_in_dim3A_14 {add = true} : memref<10240xf32, #tpu.memory_space<vmem>>[vector<16xi32>], vector<16xf32>,
        %get3A_267 = arith.constant 1 : i32
        %get3A_268 = arith.constant 1 : i32
        %get3A_269 = arith.index_cast %get3A_267 : i32 to index
        %get3A_270 = arith.index_cast %get3A_268 : i32 to index
        %get3A_271 = arith.constant 112 : index
        %get3A_272 = tpu.vector_load %arg8[%get3A_269, %get3A_270, %get3A_271] {strides = array<i32>} : memref<4x2x128xi32, #tpu.memory_space<vmem>>, vector<16xi32>,
        tpu.vector_store_idx %arg10[%get3A_272], %broadcast_in_dim3A_14 {add = true} : memref<10240xf32, #tpu.memory_space<vmem>>[vector<16xi32>], vector<16xf32>,
      } else {
      }
      %eq3A_211 = arith.constant 2 : i32
      %eq3A_212 = arith.cmpi eq, %and3A_175, %eq3A_211 : i32
      %convert_element_type3A_213 = arith.extui %eq3A_212 : i1 to i32
      %cond3A_214 = arith.constant 0 : i32
      %cond3A_215 = arith.cmpi ne, %convert_element_type3A_213, %cond3A_214 : i32
      scf.if %cond3A_215 {
        %get3A = arith.constant 2 : i32
        %get3A_226 = arith.constant 1 : i32
        %get3A_227 = arith.index_cast %get3A : i32 to index
        %get3A_228 = arith.index_cast %get3A_226 : i32 to index
        %get3A_229 = arith.constant 0 : index
        %get3A_230 = tpu.vector_load %arg8[%get3A_227, %get3A_228, %get3A_229] {strides = array<i32>} : memref<4x2x128xi32, #tpu.memory_space<vmem>>, vector<16xi32>,
        tpu.vector_store_idx %arg10[%get3A_230], %broadcast_in_dim3A_14 {add = true} : memref<10240xf32, #tpu.memory_space<vmem>>[vector<16xi32>], vector<16xf32>,
        %get3A_231 = arith.constant 2 : i32
        %get3A_232 = arith.constant 1 : i32
        %get3A_233 = arith.index_cast %get3A_231 : i32 to index
        %get3A_234 = arith.index_cast %get3A_232 : i32 to index
        %get3A_235 = arith.constant 16 : index
        %get3A_236 = tpu.vector_load %arg8[%get3A_233, %get3A_234, %get3A_235] {strides = array<i32>} : memref<4x2x128xi32, #tpu.memory_space<vmem>>, vector<16xi32>,
        tpu.vector_store_idx %arg10[%get3A_236], %broadcast_in_dim3A_14 {add = true} : memref<10240xf32, #tpu.memory_space<vmem>>[vector<16xi32>], vector<16xf32>,
        %get3A_237 = arith.constant 2 : i32
        %get3A_238 = arith.constant 1 : i32
        %get3A_239 = arith.index_cast %get3A_237 : i32 to index
        %get3A_240 = arith.index_cast %get3A_238 : i32 to index
        %get3A_241 = arith.constant 32 : index
        %get3A_242 = tpu.vector_load %arg8[%get3A_239, %get3A_240, %get3A_241] {strides = array<i32>} : memref<4x2x128xi32, #tpu.memory_space<vmem>>, vector<16xi32>,
        tpu.vector_store_idx %arg10[%get3A_242], %broadcast_in_dim3A_14 {add = true} : memref<10240xf32, #tpu.memory_space<vmem>>[vector<16xi32>], vector<16xf32>,
        %get3A_243 = arith.constant 2 : i32
        %get3A_244 = arith.constant 1 : i32
        %get3A_245 = arith.index_cast %get3A_243 : i32 to index
        %get3A_246 = arith.index_cast %get3A_244 : i32 to index
        %get3A_247 = arith.constant 48 : index
        %get3A_248 = tpu.vector_load %arg8[%get3A_245, %get3A_246, %get3A_247] {strides = array<i32>} : memref<4x2x128xi32, #tpu.memory_space<vmem>>, vector<16xi32>,
        tpu.vector_store_idx %arg10[%get3A_248], %broadcast_in_dim3A_14 {add = true} : memref<10240xf32, #tpu.memory_space<vmem>>[vector<16xi32>], vector<16xf32>,
        %get3A_249 = arith.constant 2 : i32
        %get3A_250 = arith.constant 1 : i32
        %get3A_251 = arith.index_cast %get3A_249 : i32 to index
        %get3A_252 = arith.index_cast %get3A_250 : i32 to index
        %get3A_253 = arith.constant 64 : index
        %get3A_254 = tpu.vector_load %arg8[%get3A_251, %get3A_252, %get3A_253] {strides = array<i32>} : memref<4x2x128xi32, #tpu.memory_space<vmem>>, vector<16xi32>,
        tpu.vector_store_idx %arg10[%get3A_254], %broadcast_in_dim3A_14 {add = true} : memref<10240xf32, #tpu.memory_space<vmem>>[vector<16xi32>], vector<16xf32>,
        %get3A_255 = arith.constant 2 : i32
        %get3A_256 = arith.constant 1 : i32
        %get3A_257 = arith.index_cast %get3A_255 : i32 to index
        %get3A_258 = arith.index_cast %get3A_256 : i32 to index
        %get3A_259 = arith.constant 80 : index
        %get3A_260 = tpu.vector_load %arg8[%get3A_257, %get3A_258, %get3A_259] {strides = array<i32>} : memref<4x2x128xi32, #tpu.memory_space<vmem>>, vector<16xi32>,
        tpu.vector_store_idx %arg10[%get3A_260], %broadcast_in_dim3A_14 {add = true} : memref<10240xf32, #tpu.memory_space<vmem>>[vector<16xi32>], vector<16xf32>,
        %get3A_261 = arith.constant 2 : i32
        %get3A_262 = arith.constant 1 : i32
        %get3A_263 = arith.index_cast %get3A_261 : i32 to index
        %get3A_264 = arith.index_cast %get3A_262 : i32 to index
        %get3A_265 = arith.constant 96 : index
        %get3A_266 = tpu.vector_load %arg8[%get3A_263, %get3A_264, %get3A_265] {strides = array<i32>} : memref<4x2x128xi32, #tpu.memory_space<vmem>>, vector<16xi32>,
        tpu.vector_store_idx %arg10[%get3A_266], %broadcast_in_dim3A_14 {add = true} : memref<10240xf32, #tpu.memory_space<vmem>>[vector<16xi32>], vector<16xf32>,
        %get3A_267 = arith.constant 2 : i32
        %get3A_268 = arith.constant 1 : i32
        %get3A_269 = arith.index_cast %get3A_267 : i32 to index
        %get3A_270 = arith.index_cast %get3A_268 : i32 to index
        %get3A_271 = arith.constant 112 : index
        %get3A_272 = tpu.vector_load %arg8[%get3A_269, %get3A_270, %get3A_271] {strides = array<i32>} : memref<4x2x128xi32, #tpu.memory_space<vmem>>, vector<16xi32>,
        tpu.vector_store_idx %arg10[%get3A_272], %broadcast_in_dim3A_14 {add = true} : memref<10240xf32, #tpu.memory_space<vmem>>[vector<16xi32>], vector<16xf32>,
      } else {
      }
      %eq3A_216 = arith.constant 3 : i32
      %eq3A_217 = arith.cmpi eq, %and3A_175, %eq3A_216 : i32
      %convert_element_type3A_218 = arith.extui %eq3A_217 : i1 to i32
      %cond3A_219 = arith.constant 0 : i32
      %cond3A_220 = arith.cmpi ne, %convert_element_type3A_218, %cond3A_219 : i32
      scf.if %cond3A_220 {
        %get3A = arith.constant 3 : i32
        %get3A_226 = arith.constant 1 : i32
        %get3A_227 = arith.index_cast %get3A : i32 to index
        %get3A_228 = arith.index_cast %get3A_226 : i32 to index
        %get3A_229 = arith.constant 0 : index
        %get3A_230 = tpu.vector_load %arg8[%get3A_227, %get3A_228, %get3A_229] {strides = array<i32>} : memref<4x2x128xi32, #tpu.memory_space<vmem>>, vector<16xi32>,
        tpu.vector_store_idx %arg10[%get3A_230], %broadcast_in_dim3A_14 {add = true} : memref<10240xf32, #tpu.memory_space<vmem>>[vector<16xi32>], vector<16xf32>,
        %get3A_231 = arith.constant 3 : i32
        %get3A_232 = arith.constant 1 : i32
        %get3A_233 = arith.index_cast %get3A_231 : i32 to index
        %get3A_234 = arith.index_cast %get3A_232 : i32 to index
        %get3A_235 = arith.constant 16 : index
        %get3A_236 = tpu.vector_load %arg8[%get3A_233, %get3A_234, %get3A_235] {strides = array<i32>} : memref<4x2x128xi32, #tpu.memory_space<vmem>>, vector<16xi32>,
        tpu.vector_store_idx %arg10[%get3A_236], %broadcast_in_dim3A_14 {add = true} : memref<10240xf32, #tpu.memory_space<vmem>>[vector<16xi32>], vector<16xf32>,
        %get3A_237 = arith.constant 3 : i32
        %get3A_238 = arith.constant 1 : i32
        %get3A_239 = arith.index_cast %get3A_237 : i32 to index
        %get3A_240 = arith.index_cast %get3A_238 : i32 to index
        %get3A_241 = arith.constant 32 : index
        %get3A_242 = tpu.vector_load %arg8[%get3A_239, %get3A_240, %get3A_241] {strides = array<i32>} : memref<4x2x128xi32, #tpu.memory_space<vmem>>, vector<16xi32>,
        tpu.vector_store_idx %arg10[%get3A_242], %broadcast_in_dim3A_14 {add = true} : memref<10240xf32, #tpu.memory_space<vmem>>[vector<16xi32>], vector<16xf32>,
        %get3A_243 = arith.constant 3 : i32
        %get3A_244 = arith.constant 1 : i32
        %get3A_245 = arith.index_cast %get3A_243 : i32 to index
        %get3A_246 = arith.index_cast %get3A_244 : i32 to index
        %get3A_247 = arith.constant 48 : index
        %get3A_248 = tpu.vector_load %arg8[%get3A_245, %get3A_246, %get3A_247] {strides = array<i32>} : memref<4x2x128xi32, #tpu.memory_space<vmem>>, vector<16xi32>,
        tpu.vector_store_idx %arg10[%get3A_248], %broadcast_in_dim3A_14 {add = true} : memref<10240xf32, #tpu.memory_space<vmem>>[vector<16xi32>], vector<16xf32>,
        %get3A_249 = arith.constant 3 : i32
        %get3A_250 = arith.constant 1 : i32
        %get3A_251 = arith.index_cast %get3A_249 : i32 to index
        %get3A_252 = arith.index_cast %get3A_250 : i32 to index
        %get3A_253 = arith.constant 64 : index
        %get3A_254 = tpu.vector_load %arg8[%get3A_251, %get3A_252, %get3A_253] {strides = array<i32>} : memref<4x2x128xi32, #tpu.memory_space<vmem>>, vector<16xi32>,
        tpu.vector_store_idx %arg10[%get3A_254], %broadcast_in_dim3A_14 {add = true} : memref<10240xf32, #tpu.memory_space<vmem>>[vector<16xi32>], vector<16xf32>,
        %get3A_255 = arith.constant 3 : i32
        %get3A_256 = arith.constant 1 : i32
        %get3A_257 = arith.index_cast %get3A_255 : i32 to index
        %get3A_258 = arith.index_cast %get3A_256 : i32 to index
        %get3A_259 = arith.constant 80 : index
        %get3A_260 = tpu.vector_load %arg8[%get3A_257, %get3A_258, %get3A_259] {strides = array<i32>} : memref<4x2x128xi32, #tpu.memory_space<vmem>>, vector<16xi32>,
        tpu.vector_store_idx %arg10[%get3A_260], %broadcast_in_dim3A_14 {add = true} : memref<10240xf32, #tpu.memory_space<vmem>>[vector<16xi32>], vector<16xf32>,
        %get3A_261 = arith.constant 3 : i32
        %get3A_262 = arith.constant 1 : i32
        %get3A_263 = arith.index_cast %get3A_261 : i32 to index
        %get3A_264 = arith.index_cast %get3A_262 : i32 to index
        %get3A_265 = arith.constant 96 : index
        %get3A_266 = tpu.vector_load %arg8[%get3A_263, %get3A_264, %get3A_265] {strides = array<i32>} : memref<4x2x128xi32, #tpu.memory_space<vmem>>, vector<16xi32>,
        tpu.vector_store_idx %arg10[%get3A_266], %broadcast_in_dim3A_14 {add = true} : memref<10240xf32, #tpu.memory_space<vmem>>[vector<16xi32>], vector<16xf32>,
        %get3A_267 = arith.constant 3 : i32
        %get3A_268 = arith.constant 1 : i32
        %get3A_269 = arith.index_cast %get3A_267 : i32 to index
        %get3A_270 = arith.index_cast %get3A_268 : i32 to index
        %get3A_271 = arith.constant 112 : index
        %get3A_272 = tpu.vector_load %arg8[%get3A_269, %get3A_270, %get3A_271] {strides = array<i32>} : memref<4x2x128xi32, #tpu.memory_space<vmem>>, vector<16xi32>,
        tpu.vector_store_idx %arg10[%get3A_272], %broadcast_in_dim3A_14 {add = true} : memref<10240xf32, #tpu.memory_space<vmem>>[vector<16xi32>], vector<16xf32>,
      } else {
      }
      %add3A_221 = arith.constant 1 : i32
      %add3A_222 = arith.addi %while3A_134, %add3A_221 : i32
      %lt3A = arith.cmpi slt, %add3A_222, %select_n3A : i32
      %convert_element_type3A_223 = arith.extui %lt3A : i1 to i32
      %cond3A_224 = arith.constant 0 : i32
      %cond3A_225 = arith.cmpi ne, %convert_element_type3A_223, %cond3A_224 : i32
      scf.if %cond3A_225 {
        %add3A_226 = arith.constant 1 : i32
        %add3A_227 = arith.addi %while3A_134, %add3A_226 : i32
        %add3A_228 = arith.addi %select_n3A_11, %add3A_227 : i32
        %and3A_229 = arith.constant 3 : i32
        %and3A_230 = arith.andi %add3A_227, %and3A_229 : i32
        %dma_start3A_231 = arith.constant 0 : i32
        %dma_start3A_232 = arith.constant 0 : i32
        %dma_start3A_233 = tpu.memref_slice %arg8[%and3A_230, %dma_start3A_231, %dma_start3A_232] : memref<4x2x128xi32, #tpu.memory_space<vmem>> -> memref<1x2x128xi32, #tpu.memory_space<vmem>>
        %dma_start3A_234 = tpu.memref_squeeze %dma_start3A_233 : memref<1x2x128xi32, #tpu.memory_space<vmem>> -> memref<2x128xi32, #tpu.memory_space<vmem>>
        %dma_start3A_235 = arith.constant 0 : i32
        %dma_start3A_236 = arith.constant 0 : i32
        %dma_start3A_237 = tpu.memref_slice %arg3[%add3A_228, %dma_start3A_235, %dma_start3A_236] : memref<2528x2x128xi32, #tpu.memory_space<hbm>> -> memref<1x2x128xi32, #tpu.memory_space<hbm>>
        %dma_start3A_238 = tpu.memref_squeeze %dma_start3A_237 : memref<1x2x128xi32, #tpu.memory_space<hbm>> -> memref<2x128xi32, #tpu.memory_space<hbm>>
        %dma_start3A_239 = arith.constant 0 : i32
        %dma_start3A_240 = arith.constant 0 : i32
        %dma_start3A_241 = tpu.memref_slice %arg8[%and3A_230, %dma_start3A_239, %dma_start3A_240] : memref<4x2x128xi32, #tpu.memory_space<vmem>> -> memref<1x2x128xi32, #tpu.memory_space<vmem>>
        %dma_start3A_242 = tpu.memref_squeeze %dma_start3A_241 : memref<1x2x128xi32, #tpu.memory_space<vmem>> -> memref<2x128xi32, #tpu.memory_space<vmem>>
        %dma_start3A_243 = arith.constant 0 : i32
        %dma_start3A_244 = arith.constant 0 : i32
        %dma_start3A_245 = tpu.memref_slice %arg3[%add3A_228, %dma_start3A_243, %dma_start3A_244] : memref<2528x2x128xi32, #tpu.memory_space<hbm>> -> memref<1x2x128xi32, #tpu.memory_space<hbm>>
        %dma_start3A_246 = tpu.memref_squeeze %dma_start3A_245 : memref<1x2x128xi32, #tpu.memory_space<hbm>> -> memref<2x128xi32, #tpu.memory_space<hbm>>
        tpu.enqueue_dma source(%dma_start3A_246 : memref<2x128xi32, #tpu.memory_space<hbm>>) target(%dma_start3A_242 : memref<2x128xi32, #tpu.memory_space<vmem>>) target_semaphore(%arg14 : memref<!tpu.dma_semaphore, #tpu.memory_space<semaphore_mem>>)
      } else {
      }
    }
    %sub3A = arith.constant 1 : i32
    %sub3A_60 = arith.subi %select_n3A, %sub3A : i32
    %and3A_61 = arith.constant 3 : i32
    %and3A_62 = arith.andi %sub3A_60, %and3A_61 : i32
    %dma_wait3A = arith.constant 0 : i32
    %dma_wait3A_63 = arith.constant 0 : i32
    %dma_wait3A_64 = tpu.memref_slice %arg9[%dma_wait3A, %dma_wait3A_63] : memref<256x128xf32, #tpu.memory_space<vmem>> -> memref<128x128xf32, #tpu.memory_space<vmem>>
    %dma_wait3A_65 = arith.constant 0 : i32
    %dma_wait3A_66 = arith.constant 0 : i32
    %dma_wait3A_67 = tpu.memref_slice %arg2[%dma_wait3A_65, %dma_wait3A_66] : memref<10000x128xf32, #tpu.memory_space<hbm>> -> memref<128x128xf32, #tpu.memory_space<hbm>>
    %dma_wait3A_68 = arith.constant 0 : i32
    %dma_wait3A_69 = arith.constant 0 : i32
    %dma_wait3A_70 = tpu.memref_slice %arg9[%dma_wait3A_68, %dma_wait3A_69] : memref<256x128xf32, #tpu.memory_space<vmem>> -> memref<128x128xf32, #tpu.memory_space<vmem>>
    %dma_wait3A_71 = arith.constant 0 : i32
    %dma_wait3A_72 = arith.constant 0 : i32
    %dma_wait3A_73 = tpu.memref_slice %arg2[%dma_wait3A_71, %dma_wait3A_72] : memref<10000x128xf32, #tpu.memory_space<hbm>> -> memref<128x128xf32, #tpu.memory_space<hbm>>
    tpu.wait_dma2 semaphore(%arg12 : memref<!tpu.dma_semaphore, #tpu.memory_space<semaphore_mem>>) src(%dma_wait3A_73 : memref<128x128xf32, #tpu.memory_space<hbm>>) dst(%dma_wait3A_70 : memref<128x128xf32, #tpu.memory_space<vmem>>)
    %and3A_74 = arith.constant 1 : i32
    %and3A_75 = arith.andi %sub3A_60, %and3A_74 : i32
    %mul3A_76 = arith.constant 128 : i32
    %mul3A_77 = arith.muli %and3A_75, %mul3A_76 : i32
    %dma_start3A_78 = arith.constant 1 : i32
    %dma_start3A_79 = arith.constant 0 : i32
    %dma_start3A_80 = tpu.memref_slice %arg9[%mul3A_77, %dma_start3A_79] : memref<256x128xf32, #tpu.memory_space<vmem>> -> memref<128x128xf32, #tpu.memory_space<vmem>>
    %dma_start3A_81 = arith.constant 0 : i32
    %dma_start3A_82 = tpu.memref_slice %arg8[%and3A_62, %dma_start3A_78, %dma_start3A_81] : memref<4x2x128xi32, #tpu.memory_space<vmem>> -> memref<1x1x128xi32, #tpu.memory_space<vmem>>
    %dma_start3A_83 = tpu.memref_squeeze %dma_start3A_82 : memref<1x1x128xi32, #tpu.memory_space<vmem>> -> memref<128xi32, #tpu.memory_space<vmem>>
    %dma_start3A_84 = arith.constant 0 : i32
    %dma_start3A_85 = arith.constant 0 : i32
    %dma_start3A_86 = tpu.memref_slice %arg11[%dma_start3A_84, %dma_start3A_85] : memref<10112x128xf32, #tpu.memory_space<vmem_shared>> -> memref<10112x128xf32, #tpu.memory_space<vmem_shared>>
    tpu.enqueue_indirect_dma source(%dma_start3A_80 : memref<128x128xf32, #tpu.memory_space<vmem>>) target(%dma_start3A_86 : memref<10112x128xf32, #tpu.memory_space<vmem_shared>>) offsets(%dma_start3A_83 : memref<128xi32, #tpu.memory_space<vmem>>) semaphore(%arg13 : memref<!tpu.dma_semaphore, #tpu.memory_space<semaphore_mem>>) {add = true}
    %eq3A_87 = arith.constant 0 : i32
    %eq3A_88 = arith.cmpi eq, %and3A_62, %eq3A_87 : i32
    %convert_element_type3A = arith.extui %eq3A_88 : i1 to i32
    %cond3A = arith.constant 0 : i32
    %cond3A_89 = arith.cmpi ne, %convert_element_type3A, %cond3A : i32
    scf.if %cond3A_89 {
      %get3A = arith.constant 0 : i32
      %get3A_134 = arith.constant 1 : i32
      %get3A_135 = arith.index_cast %get3A : i32 to index
      %get3A_136 = arith.index_cast %get3A_134 : i32 to index
      %get3A_137 = arith.constant 0 : index
      %get3A_138 = tpu.vector_load %arg8[%get3A_135, %get3A_136, %get3A_137] {strides = array<i32>} : memref<4x2x128xi32, #tpu.memory_space<vmem>>, vector<16xi32>,
      tpu.vector_store_idx %arg10[%get3A_138], %broadcast_in_dim3A_14 {add = true} : memref<10240xf32, #tpu.memory_space<vmem>>[vector<16xi32>], vector<16xf32>,
      %get3A_139 = arith.constant 0 : i32
      %get3A_140 = arith.constant 1 : i32
      %get3A_141 = arith.index_cast %get3A_139 : i32 to index
      %get3A_142 = arith.index_cast %get3A_140 : i32 to index
      %get3A_143 = arith.constant 16 : index
      %get3A_144 = tpu.vector_load %arg8[%get3A_141, %get3A_142, %get3A_143] {strides = array<i32>} : memref<4x2x128xi32, #tpu.memory_space<vmem>>, vector<16xi32>,
      tpu.vector_store_idx %arg10[%get3A_144], %broadcast_in_dim3A_14 {add = true} : memref<10240xf32, #tpu.memory_space<vmem>>[vector<16xi32>], vector<16xf32>,
      %get3A_145 = arith.constant 0 : i32
      %get3A_146 = arith.constant 1 : i32
      %get3A_147 = arith.index_cast %get3A_145 : i32 to index
      %get3A_148 = arith.index_cast %get3A_146 : i32 to index
      %get3A_149 = arith.constant 32 : index
      %get3A_150 = tpu.vector_load %arg8[%get3A_147, %get3A_148, %get3A_149] {strides = array<i32>} : memref<4x2x128xi32, #tpu.memory_space<vmem>>, vector<16xi32>,
      tpu.vector_store_idx %arg10[%get3A_150], %broadcast_in_dim3A_14 {add = true} : memref<10240xf32, #tpu.memory_space<vmem>>[vector<16xi32>], vector<16xf32>,
      %get3A_151 = arith.constant 0 : i32
      %get3A_152 = arith.constant 1 : i32
      %get3A_153 = arith.index_cast %get3A_151 : i32 to index
      %get3A_154 = arith.index_cast %get3A_152 : i32 to index
      %get3A_155 = arith.constant 48 : index
      %get3A_156 = tpu.vector_load %arg8[%get3A_153, %get3A_154, %get3A_155] {strides = array<i32>} : memref<4x2x128xi32, #tpu.memory_space<vmem>>, vector<16xi32>,
      tpu.vector_store_idx %arg10[%get3A_156], %broadcast_in_dim3A_14 {add = true} : memref<10240xf32, #tpu.memory_space<vmem>>[vector<16xi32>], vector<16xf32>,
      %get3A_157 = arith.constant 0 : i32
      %get3A_158 = arith.constant 1 : i32
      %get3A_159 = arith.index_cast %get3A_157 : i32 to index
      %get3A_160 = arith.index_cast %get3A_158 : i32 to index
      %get3A_161 = arith.constant 64 : index
      %get3A_162 = tpu.vector_load %arg8[%get3A_159, %get3A_160, %get3A_161] {strides = array<i32>} : memref<4x2x128xi32, #tpu.memory_space<vmem>>, vector<16xi32>,
      tpu.vector_store_idx %arg10[%get3A_162], %broadcast_in_dim3A_14 {add = true} : memref<10240xf32, #tpu.memory_space<vmem>>[vector<16xi32>], vector<16xf32>,
      %get3A_163 = arith.constant 0 : i32
      %get3A_164 = arith.constant 1 : i32
      %get3A_165 = arith.index_cast %get3A_163 : i32 to index
      %get3A_166 = arith.index_cast %get3A_164 : i32 to index
      %get3A_167 = arith.constant 80 : index
      %get3A_168 = tpu.vector_load %arg8[%get3A_165, %get3A_166, %get3A_167] {strides = array<i32>} : memref<4x2x128xi32, #tpu.memory_space<vmem>>, vector<16xi32>,
      tpu.vector_store_idx %arg10[%get3A_168], %broadcast_in_dim3A_14 {add = true} : memref<10240xf32, #tpu.memory_space<vmem>>[vector<16xi32>], vector<16xf32>,
      %get3A_169 = arith.constant 0 : i32
      %get3A_170 = arith.constant 1 : i32
      %get3A_171 = arith.index_cast %get3A_169 : i32 to index
      %get3A_172 = arith.index_cast %get3A_170 : i32 to index
      %get3A_173 = arith.constant 96 : index
      %get3A_174 = tpu.vector_load %arg8[%get3A_171, %get3A_172, %get3A_173] {strides = array<i32>} : memref<4x2x128xi32, #tpu.memory_space<vmem>>, vector<16xi32>,
      tpu.vector_store_idx %arg10[%get3A_174], %broadcast_in_dim3A_14 {add = true} : memref<10240xf32, #tpu.memory_space<vmem>>[vector<16xi32>], vector<16xf32>,
      %get3A_175 = arith.constant 0 : i32
      %get3A_176 = arith.constant 1 : i32
      %get3A_177 = arith.index_cast %get3A_175 : i32 to index
      %get3A_178 = arith.index_cast %get3A_176 : i32 to index
      %get3A_179 = arith.constant 112 : index
      %get3A_180 = tpu.vector_load %arg8[%get3A_177, %get3A_178, %get3A_179] {strides = array<i32>} : memref<4x2x128xi32, #tpu.memory_space<vmem>>, vector<16xi32>,
      tpu.vector_store_idx %arg10[%get3A_180], %broadcast_in_dim3A_14 {add = true} : memref<10240xf32, #tpu.memory_space<vmem>>[vector<16xi32>], vector<16xf32>,
    } else {
    }
    %eq3A_90 = arith.constant 1 : i32
    %eq3A_91 = arith.cmpi eq, %and3A_62, %eq3A_90 : i32
    %convert_element_type3A_92 = arith.extui %eq3A_91 : i1 to i32
    %cond3A_93 = arith.constant 0 : i32
    %cond3A_94 = arith.cmpi ne, %convert_element_type3A_92, %cond3A_93 : i32
    scf.if %cond3A_94 {
      %get3A = arith.constant 1 : i32
      %get3A_134 = arith.constant 1 : i32
      %get3A_135 = arith.index_cast %get3A : i32 to index
      %get3A_136 = arith.index_cast %get3A_134 : i32 to index
      %get3A_137 = arith.constant 0 : index
      %get3A_138 = tpu.vector_load %arg8[%get3A_135, %get3A_136, %get3A_137] {strides = array<i32>} : memref<4x2x128xi32, #tpu.memory_space<vmem>>, vector<16xi32>,
      tpu.vector_store_idx %arg10[%get3A_138], %broadcast_in_dim3A_14 {add = true} : memref<10240xf32, #tpu.memory_space<vmem>>[vector<16xi32>], vector<16xf32>,
      %get3A_139 = arith.constant 1 : i32
      %get3A_140 = arith.constant 1 : i32
      %get3A_141 = arith.index_cast %get3A_139 : i32 to index
      %get3A_142 = arith.index_cast %get3A_140 : i32 to index
      %get3A_143 = arith.constant 16 : index
      %get3A_144 = tpu.vector_load %arg8[%get3A_141, %get3A_142, %get3A_143] {strides = array<i32>} : memref<4x2x128xi32, #tpu.memory_space<vmem>>, vector<16xi32>,
      tpu.vector_store_idx %arg10[%get3A_144], %broadcast_in_dim3A_14 {add = true} : memref<10240xf32, #tpu.memory_space<vmem>>[vector<16xi32>], vector<16xf32>,
      %get3A_145 = arith.constant 1 : i32
      %get3A_146 = arith.constant 1 : i32
      %get3A_147 = arith.index_cast %get3A_145 : i32 to index
      %get3A_148 = arith.index_cast %get3A_146 : i32 to index
      %get3A_149 = arith.constant 32 : index
      %get3A_150 = tpu.vector_load %arg8[%get3A_147, %get3A_148, %get3A_149] {strides = array<i32>} : memref<4x2x128xi32, #tpu.memory_space<vmem>>, vector<16xi32>,
      tpu.vector_store_idx %arg10[%get3A_150], %broadcast_in_dim3A_14 {add = true} : memref<10240xf32, #tpu.memory_space<vmem>>[vector<16xi32>], vector<16xf32>,
      %get3A_151 = arith.constant 1 : i32
      %get3A_152 = arith.constant 1 : i32
      %get3A_153 = arith.index_cast %get3A_151 : i32 to index
      %get3A_154 = arith.index_cast %get3A_152 : i32 to index
      %get3A_155 = arith.constant 48 : index
      %get3A_156 = tpu.vector_load %arg8[%get3A_153, %get3A_154, %get3A_155] {strides = array<i32>} : memref<4x2x128xi32, #tpu.memory_space<vmem>>, vector<16xi32>,
      tpu.vector_store_idx %arg10[%get3A_156], %broadcast_in_dim3A_14 {add = true} : memref<10240xf32, #tpu.memory_space<vmem>>[vector<16xi32>], vector<16xf32>,
      %get3A_157 = arith.constant 1 : i32
      %get3A_158 = arith.constant 1 : i32
      %get3A_159 = arith.index_cast %get3A_157 : i32 to index
      %get3A_160 = arith.index_cast %get3A_158 : i32 to index
      %get3A_161 = arith.constant 64 : index
      %get3A_162 = tpu.vector_load %arg8[%get3A_159, %get3A_160, %get3A_161] {strides = array<i32>} : memref<4x2x128xi32, #tpu.memory_space<vmem>>, vector<16xi32>,
      tpu.vector_store_idx %arg10[%get3A_162], %broadcast_in_dim3A_14 {add = true} : memref<10240xf32, #tpu.memory_space<vmem>>[vector<16xi32>], vector<16xf32>,
      %get3A_163 = arith.constant 1 : i32
      %get3A_164 = arith.constant 1 : i32
      %get3A_165 = arith.index_cast %get3A_163 : i32 to index
      %get3A_166 = arith.index_cast %get3A_164 : i32 to index
      %get3A_167 = arith.constant 80 : index
      %get3A_168 = tpu.vector_load %arg8[%get3A_165, %get3A_166, %get3A_167] {strides = array<i32>} : memref<4x2x128xi32, #tpu.memory_space<vmem>>, vector<16xi32>,
      tpu.vector_store_idx %arg10[%get3A_168], %broadcast_in_dim3A_14 {add = true} : memref<10240xf32, #tpu.memory_space<vmem>>[vector<16xi32>], vector<16xf32>,
      %get3A_169 = arith.constant 1 : i32
      %get3A_170 = arith.constant 1 : i32
      %get3A_171 = arith.index_cast %get3A_169 : i32 to index
      %get3A_172 = arith.index_cast %get3A_170 : i32 to index
      %get3A_173 = arith.constant 96 : index
      %get3A_174 = tpu.vector_load %arg8[%get3A_171, %get3A_172, %get3A_173] {strides = array<i32>} : memref<4x2x128xi32, #tpu.memory_space<vmem>>, vector<16xi32>,
      tpu.vector_store_idx %arg10[%get3A_174], %broadcast_in_dim3A_14 {add = true} : memref<10240xf32, #tpu.memory_space<vmem>>[vector<16xi32>], vector<16xf32>,
      %get3A_175 = arith.constant 1 : i32
      %get3A_176 = arith.constant 1 : i32
      %get3A_177 = arith.index_cast %get3A_175 : i32 to index
      %get3A_178 = arith.index_cast %get3A_176 : i32 to index
      %get3A_179 = arith.constant 112 : index
      %get3A_180 = tpu.vector_load %arg8[%get3A_177, %get3A_178, %get3A_179] {strides = array<i32>} : memref<4x2x128xi32, #tpu.memory_space<vmem>>, vector<16xi32>,
      tpu.vector_store_idx %arg10[%get3A_180], %broadcast_in_dim3A_14 {add = true} : memref<10240xf32, #tpu.memory_space<vmem>>[vector<16xi32>], vector<16xf32>,
    } else {
    }
    %eq3A_95 = arith.constant 2 : i32
    %eq3A_96 = arith.cmpi eq, %and3A_62, %eq3A_95 : i32
    %convert_element_type3A_97 = arith.extui %eq3A_96 : i1 to i32
    %cond3A_98 = arith.constant 0 : i32
    %cond3A_99 = arith.cmpi ne, %convert_element_type3A_97, %cond3A_98 : i32
    scf.if %cond3A_99 {
      %get3A = arith.constant 2 : i32
      %get3A_134 = arith.constant 1 : i32
      %get3A_135 = arith.index_cast %get3A : i32 to index
      %get3A_136 = arith.index_cast %get3A_134 : i32 to index
      %get3A_137 = arith.constant 0 : index
      %get3A_138 = tpu.vector_load %arg8[%get3A_135, %get3A_136, %get3A_137] {strides = array<i32>} : memref<4x2x128xi32, #tpu.memory_space<vmem>>, vector<16xi32>,
      tpu.vector_store_idx %arg10[%get3A_138], %broadcast_in_dim3A_14 {add = true} : memref<10240xf32, #tpu.memory_space<vmem>>[vector<16xi32>], vector<16xf32>,
      %get3A_139 = arith.constant 2 : i32
      %get3A_140 = arith.constant 1 : i32
      %get3A_141 = arith.index_cast %get3A_139 : i32 to index
      %get3A_142 = arith.index_cast %get3A_140 : i32 to index
      %get3A_143 = arith.constant 16 : index
      %get3A_144 = tpu.vector_load %arg8[%get3A_141, %get3A_142, %get3A_143] {strides = array<i32>} : memref<4x2x128xi32, #tpu.memory_space<vmem>>, vector<16xi32>,
      tpu.vector_store_idx %arg10[%get3A_144], %broadcast_in_dim3A_14 {add = true} : memref<10240xf32, #tpu.memory_space<vmem>>[vector<16xi32>], vector<16xf32>,
      %get3A_145 = arith.constant 2 : i32
      %get3A_146 = arith.constant 1 : i32
      %get3A_147 = arith.index_cast %get3A_145 : i32 to index
      %get3A_148 = arith.index_cast %get3A_146 : i32 to index
      %get3A_149 = arith.constant 32 : index
      %get3A_150 = tpu.vector_load %arg8[%get3A_147, %get3A_148, %get3A_149] {strides = array<i32>} : memref<4x2x128xi32, #tpu.memory_space<vmem>>, vector<16xi32>,
      tpu.vector_store_idx %arg10[%get3A_150], %broadcast_in_dim3A_14 {add = true} : memref<10240xf32, #tpu.memory_space<vmem>>[vector<16xi32>], vector<16xf32>,
      %get3A_151 = arith.constant 2 : i32
      %get3A_152 = arith.constant 1 : i32
      %get3A_153 = arith.index_cast %get3A_151 : i32 to index
      %get3A_154 = arith.index_cast %get3A_152 : i32 to index
      %get3A_155 = arith.constant 48 : index
      %get3A_156 = tpu.vector_load %arg8[%get3A_153, %get3A_154, %get3A_155] {strides = array<i32>} : memref<4x2x128xi32, #tpu.memory_space<vmem>>, vector<16xi32>,
      tpu.vector_store_idx %arg10[%get3A_156], %broadcast_in_dim3A_14 {add = true} : memref<10240xf32, #tpu.memory_space<vmem>>[vector<16xi32>], vector<16xf32>,
      %get3A_157 = arith.constant 2 : i32
      %get3A_158 = arith.constant 1 : i32
      %get3A_159 = arith.index_cast %get3A_157 : i32 to index
      %get3A_160 = arith.index_cast %get3A_158 : i32 to index
      %get3A_161 = arith.constant 64 : index
      %get3A_162 = tpu.vector_load %arg8[%get3A_159, %get3A_160, %get3A_161] {strides = array<i32>} : memref<4x2x128xi32, #tpu.memory_space<vmem>>, vector<16xi32>,
      tpu.vector_store_idx %arg10[%get3A_162], %broadcast_in_dim3A_14 {add = true} : memref<10240xf32, #tpu.memory_space<vmem>>[vector<16xi32>], vector<16xf32>,
      %get3A_163 = arith.constant 2 : i32
      %get3A_164 = arith.constant 1 : i32
      %get3A_165 = arith.index_cast %get3A_163 : i32 to index
      %get3A_166 = arith.index_cast %get3A_164 : i32 to index
      %get3A_167 = arith.constant 80 : index
      %get3A_168 = tpu.vector_load %arg8[%get3A_165, %get3A_166, %get3A_167] {strides = array<i32>} : memref<4x2x128xi32, #tpu.memory_space<vmem>>, vector<16xi32>,
      tpu.vector_store_idx %arg10[%get3A_168], %broadcast_in_dim3A_14 {add = true} : memref<10240xf32, #tpu.memory_space<vmem>>[vector<16xi32>], vector<16xf32>,
      %get3A_169 = arith.constant 2 : i32
      %get3A_170 = arith.constant 1 : i32
      %get3A_171 = arith.index_cast %get3A_169 : i32 to index
      %get3A_172 = arith.index_cast %get3A_170 : i32 to index
      %get3A_173 = arith.constant 96 : index
      %get3A_174 = tpu.vector_load %arg8[%get3A_171, %get3A_172, %get3A_173] {strides = array<i32>} : memref<4x2x128xi32, #tpu.memory_space<vmem>>, vector<16xi32>,
      tpu.vector_store_idx %arg10[%get3A_174], %broadcast_in_dim3A_14 {add = true} : memref<10240xf32, #tpu.memory_space<vmem>>[vector<16xi32>], vector<16xf32>,
      %get3A_175 = arith.constant 2 : i32
      %get3A_176 = arith.constant 1 : i32
      %get3A_177 = arith.index_cast %get3A_175 : i32 to index
      %get3A_178 = arith.index_cast %get3A_176 : i32 to index
      %get3A_179 = arith.constant 112 : index
      %get3A_180 = tpu.vector_load %arg8[%get3A_177, %get3A_178, %get3A_179] {strides = array<i32>} : memref<4x2x128xi32, #tpu.memory_space<vmem>>, vector<16xi32>,
      tpu.vector_store_idx %arg10[%get3A_180], %broadcast_in_dim3A_14 {add = true} : memref<10240xf32, #tpu.memory_space<vmem>>[vector<16xi32>], vector<16xf32>,
    } else {
    }
    %eq3A_100 = arith.constant 3 : i32
    %eq3A_101 = arith.cmpi eq, %and3A_62, %eq3A_100 : i32
    %convert_element_type3A_102 = arith.extui %eq3A_101 : i1 to i32
    %cond3A_103 = arith.constant 0 : i32
    %cond3A_104 = arith.cmpi ne, %convert_element_type3A_102, %cond3A_103 : i32
    scf.if %cond3A_104 {
      %get3A = arith.constant 3 : i32
      %get3A_134 = arith.constant 1 : i32
      %get3A_135 = arith.index_cast %get3A : i32 to index
      %get3A_136 = arith.index_cast %get3A_134 : i32 to index
      %get3A_137 = arith.constant 0 : index
      %get3A_138 = tpu.vector_load %arg8[%get3A_135, %get3A_136, %get3A_137] {strides = array<i32>} : memref<4x2x128xi32, #tpu.memory_space<vmem>>, vector<16xi32>,
      tpu.vector_store_idx %arg10[%get3A_138], %broadcast_in_dim3A_14 {add = true} : memref<10240xf32, #tpu.memory_space<vmem>>[vector<16xi32>], vector<16xf32>,
      %get3A_139 = arith.constant 3 : i32
      %get3A_140 = arith.constant 1 : i32
      %get3A_141 = arith.index_cast %get3A_139 : i32 to index
      %get3A_142 = arith.index_cast %get3A_140 : i32 to index
      %get3A_143 = arith.constant 16 : index
      %get3A_144 = tpu.vector_load %arg8[%get3A_141, %get3A_142, %get3A_143] {strides = array<i32>} : memref<4x2x128xi32, #tpu.memory_space<vmem>>, vector<16xi32>,
      tpu.vector_store_idx %arg10[%get3A_144], %broadcast_in_dim3A_14 {add = true} : memref<10240xf32, #tpu.memory_space<vmem>>[vector<16xi32>], vector<16xf32>,
      %get3A_145 = arith.constant 3 : i32
      %get3A_146 = arith.constant 1 : i32
      %get3A_147 = arith.index_cast %get3A_145 : i32 to index
      %get3A_148 = arith.index_cast %get3A_146 : i32 to index
      %get3A_149 = arith.constant 32 : index
      %get3A_150 = tpu.vector_load %arg8[%get3A_147, %get3A_148, %get3A_149] {strides = array<i32>} : memref<4x2x128xi32, #tpu.memory_space<vmem>>, vector<16xi32>,
      tpu.vector_store_idx %arg10[%get3A_150], %broadcast_in_dim3A_14 {add = true} : memref<10240xf32, #tpu.memory_space<vmem>>[vector<16xi32>], vector<16xf32>,
      %get3A_151 = arith.constant 3 : i32
      %get3A_152 = arith.constant 1 : i32
      %get3A_153 = arith.index_cast %get3A_151 : i32 to index
      %get3A_154 = arith.index_cast %get3A_152 : i32 to index
      %get3A_155 = arith.constant 48 : index
      %get3A_156 = tpu.vector_load %arg8[%get3A_153, %get3A_154, %get3A_155] {strides = array<i32>} : memref<4x2x128xi32, #tpu.memory_space<vmem>>, vector<16xi32>,
      tpu.vector_store_idx %arg10[%get3A_156], %broadcast_in_dim3A_14 {add = true} : memref<10240xf32, #tpu.memory_space<vmem>>[vector<16xi32>], vector<16xf32>,
      %get3A_157 = arith.constant 3 : i32
      %get3A_158 = arith.constant 1 : i32
      %get3A_159 = arith.index_cast %get3A_157 : i32 to index
      %get3A_160 = arith.index_cast %get3A_158 : i32 to index
      %get3A_161 = arith.constant 64 : index
      %get3A_162 = tpu.vector_load %arg8[%get3A_159, %get3A_160, %get3A_161] {strides = array<i32>} : memref<4x2x128xi32, #tpu.memory_space<vmem>>, vector<16xi32>,
      tpu.vector_store_idx %arg10[%get3A_162], %broadcast_in_dim3A_14 {add = true} : memref<10240xf32, #tpu.memory_space<vmem>>[vector<16xi32>], vector<16xf32>,
      %get3A_163 = arith.constant 3 : i32
      %get3A_164 = arith.constant 1 : i32
      %get3A_165 = arith.index_cast %get3A_163 : i32 to index
      %get3A_166 = arith.index_cast %get3A_164 : i32 to index
      %get3A_167 = arith.constant 80 : index
      %get3A_168 = tpu.vector_load %arg8[%get3A_165, %get3A_166, %get3A_167] {strides = array<i32>} : memref<4x2x128xi32, #tpu.memory_space<vmem>>, vector<16xi32>,
      tpu.vector_store_idx %arg10[%get3A_168], %broadcast_in_dim3A_14 {add = true} : memref<10240xf32, #tpu.memory_space<vmem>>[vector<16xi32>], vector<16xf32>,
      %get3A_169 = arith.constant 3 : i32
      %get3A_170 = arith.constant 1 : i32
      %get3A_171 = arith.index_cast %get3A_169 : i32 to index
      %get3A_172 = arith.index_cast %get3A_170 : i32 to index
      %get3A_173 = arith.constant 96 : index
      %get3A_174 = tpu.vector_load %arg8[%get3A_171, %get3A_172, %get3A_173] {strides = array<i32>} : memref<4x2x128xi32, #tpu.memory_space<vmem>>, vector<16xi32>,
      tpu.vector_store_idx %arg10[%get3A_174], %broadcast_in_dim3A_14 {add = true} : memref<10240xf32, #tpu.memory_space<vmem>>[vector<16xi32>], vector<16xf32>,
      %get3A_175 = arith.constant 3 : i32
      %get3A_176 = arith.constant 1 : i32
      %get3A_177 = arith.index_cast %get3A_175 : i32 to index
      %get3A_178 = arith.index_cast %get3A_176 : i32 to index
      %get3A_179 = arith.constant 112 : index
      %get3A_180 = tpu.vector_load %arg8[%get3A_177, %get3A_178, %get3A_179] {strides = array<i32>} : memref<4x2x128xi32, #tpu.memory_space<vmem>>, vector<16xi32>,
      tpu.vector_store_idx %arg10[%get3A_180], %broadcast_in_dim3A_14 {add = true} : memref<10240xf32, #tpu.memory_space<vmem>>[vector<16xi32>], vector<16xf32>,
    } else {
    }
    %dma_wait3A_105 = arith.constant 0 : i32
    %dma_wait3A_106 = arith.constant 0 : i32
    %dma_wait3A_107 = tpu.memref_slice %arg9[%dma_wait3A_105, %dma_wait3A_106] : memref<256x128xf32, #tpu.memory_space<vmem>> -> memref<128x128xf32, #tpu.memory_space<vmem>>
    %dma_wait3A_108 = arith.constant 0 : i32
    %dma_wait3A_109 = arith.constant 0 : i32
    %dma_wait3A_110 = tpu.memref_slice %arg2[%dma_wait3A_108, %dma_wait3A_109] : memref<10000x128xf32, #tpu.memory_space<hbm>> -> memref<128x128xf32, #tpu.memory_space<hbm>>
    %dma_wait3A_111 = arith.constant 0 : i32
    %dma_wait3A_112 = arith.constant 0 : i32
    %dma_wait3A_113 = tpu.memref_slice %arg9[%dma_wait3A_111, %dma_wait3A_112] : memref<256x128xf32, #tpu.memory_space<vmem>> -> memref<128x128xf32, #tpu.memory_space<vmem>>
    %dma_wait3A_114 = arith.constant 0 : i32
    %dma_wait3A_115 = arith.constant 0 : i32
    %dma_wait3A_116 = tpu.memref_slice %arg2[%dma_wait3A_114, %dma_wait3A_115] : memref<10000x128xf32, #tpu.memory_space<hbm>> -> memref<128x128xf32, #tpu.memory_space<hbm>>
    tpu.wait_dma2 semaphore(%arg13 : memref<!tpu.dma_semaphore, #tpu.memory_space<semaphore_mem>>) src(%dma_wait3A_116 : memref<128x128xf32, #tpu.memory_space<hbm>>) dst(%dma_wait3A_113 : memref<128x128xf32, #tpu.memory_space<vmem>>)
    %dma_wait3A_117 = arith.constant 0 : i32
    %dma_wait3A_118 = arith.constant 0 : i32
    %dma_wait3A_119 = tpu.memref_slice %arg9[%dma_wait3A_117, %dma_wait3A_118] : memref<256x128xf32, #tpu.memory_space<vmem>> -> memref<128x128xf32, #tpu.memory_space<vmem>>
    %dma_wait3A_120 = arith.constant 0 : i32
    %dma_wait3A_121 = arith.constant 0 : i32
    %dma_wait3A_122 = tpu.memref_slice %arg2[%dma_wait3A_120, %dma_wait3A_121] : memref<10000x128xf32, #tpu.memory_space<hbm>> -> memref<128x128xf32, #tpu.memory_space<hbm>>
    %dma_wait3A_123 = arith.constant 0 : i32
    %dma_wait3A_124 = arith.constant 0 : i32
    %dma_wait3A_125 = tpu.memref_slice %arg9[%dma_wait3A_123, %dma_wait3A_124] : memref<256x128xf32, #tpu.memory_space<vmem>> -> memref<128x128xf32, #tpu.memory_space<vmem>>
    %dma_wait3A_126 = arith.constant 0 : i32
    %dma_wait3A_127 = arith.constant 0 : i32
    %dma_wait3A_128 = tpu.memref_slice %arg2[%dma_wait3A_126, %dma_wait3A_127] : memref<10000x128xf32, #tpu.memory_space<hbm>> -> memref<128x128xf32, #tpu.memory_space<hbm>>
    tpu.wait_dma2 semaphore(%arg13 : memref<!tpu.dma_semaphore, #tpu.memory_space<semaphore_mem>>) src(%dma_wait3A_128 : memref<128x128xf32, #tpu.memory_space<hbm>>) dst(%dma_wait3A_125 : memref<128x128xf32, #tpu.memory_space<vmem>>)
    %barrier3A_129 = arith.constant 0 : index
    tpu.barrier barrier_id(%barrier3A_129)
    %mul3A_130 = arith.constant 632 : i32
    %mul3A_131 = arith.muli %arg1, %mul3A_130 : i32
    %mul3A_132 = arith.constant 632 : i32
    %mul3A_133 = arith.muli %arg1, %mul3A_132 : i32
    "tpu.region"() ({
      %run_scoped3A_134 = tpu.sem_alloc : memref<!tpu.dma_semaphore, #tpu.memory_space<semaphore_mem>>
      %dma_start3A_135 = arith.constant 0 : i32
      %dma_start3A_136 = tpu.memref_slice %arg6[%arg0, %mul3A_133, %dma_start3A_135] : memref<2x10112x128xf32, #tpu.memory_space<hbm>> -> memref<1x632x128xf32, #tpu.memory_space<hbm>>
      %dma_start3A_137 = tpu.memref_squeeze %dma_start3A_136 : memref<1x632x128xf32, #tpu.memory_space<hbm>> -> memref<632x128xf32, #tpu.memory_space<hbm>>
      %dma_start3A_138 = arith.constant 0 : i32
      %dma_start3A_139 = tpu.memref_slice %arg11[%mul3A_131, %dma_start3A_138] : memref<10112x128xf32, #tpu.memory_space<vmem_shared>> -> memref<632x128xf32, #tpu.memory_space<vmem_shared>>
      tpu.enqueue_dma source(%dma_start3A_139 : memref<632x128xf32, #tpu.memory_space<vmem_shared>>) target(%dma_start3A_137 : memref<632x128xf32, #tpu.memory_space<hbm>>) target_semaphore(%run_scoped3A_134 : memref<!tpu.dma_semaphore, #tpu.memory_space<semaphore_mem>>)
      %dma_wait3A_140 = arith.constant 0 : i32
      %dma_wait3A_141 = tpu.memref_slice %arg6[%arg0, %mul3A_133, %dma_wait3A_140] : memref<2x10112x128xf32, #tpu.memory_space<hbm>> -> memref<1x632x128xf32, #tpu.memory_space<hbm>>
      %dma_wait3A_142 = tpu.memref_squeeze %dma_wait3A_141 : memref<1x632x128xf32, #tpu.memory_space<hbm>> -> memref<632x128xf32, #tpu.memory_space<hbm>>
      %dma_wait3A_143 = arith.constant 0 : i32
      %dma_wait3A_144 = tpu.memref_slice %arg11[%mul3A_131, %dma_wait3A_143] : memref<10112x128xf32, #tpu.memory_space<vmem_shared>> -> memref<632x128xf32, #tpu.memory_space<vmem_shared>>
      tpu.wait_dma2 semaphore(%run_scoped3A_134 : memref<!tpu.dma_semaphore, #tpu.memory_space<semaphore_mem>>) src(%dma_wait3A_144 : memref<632x128xf32, #tpu.memory_space<vmem_shared>>) dst(%dma_wait3A_142 : memref<632x128xf32, #tpu.memory_space<hbm>>)
      tpu.yield
    }) : () -> ()
    "tpu.region"() ({
      %run_scoped3A_134 = tpu.sem_alloc : memref<!tpu.dma_semaphore, #tpu.memory_space<semaphore_mem>>
      %dma_start3A_135 = arith.constant 0 : i32
      %dma_start3A_136 = tpu.memref_slice %arg7[%add3A, %dma_start3A_135] : memref<32x10240xf32, #tpu.memory_space<hbm>> -> memref<1x10240xf32, #tpu.memory_space<hbm>>
      %dma_start3A_137 = tpu.memref_squeeze %dma_start3A_136 : memref<1x10240xf32, #tpu.memory_space<hbm>> -> memref<10240xf32, #tpu.memory_space<hbm>>
      %dma_start3A_138 = arith.constant 0 : i32
      %dma_start3A_139 = tpu.memref_slice %arg7[%add3A, %dma_start3A_138] : memref<32x10240xf32, #tpu.memory_space<hbm>> -> memref<1x10240xf32, #tpu.memory_space<hbm>>
      %dma_start3A_140 = tpu.memref_squeeze %dma_start3A_139 : memref<1x10240xf32, #tpu.memory_space<hbm>> -> memref<10240xf32, #tpu.memory_space<hbm>>
      tpu.enqueue_dma source(%arg10 : memref<10240xf32, #tpu.memory_space<vmem>>) target(%dma_start3A_140 : memref<10240xf32, #tpu.memory_space<hbm>>) target_semaphore(%run_scoped3A_134 : memref<!tpu.dma_semaphore, #tpu.memory_space<semaphore_mem>>)
      %dma_wait3A_141 = arith.constant 0 : i32
      %dma_wait3A_142 = tpu.memref_slice %arg7[%add3A, %dma_wait3A_141] : memref<32x10240xf32, #tpu.memory_space<hbm>> -> memref<1x10240xf32, #tpu.memory_space<hbm>>
      %dma_wait3A_143 = tpu.memref_squeeze %dma_wait3A_142 : memref<1x10240xf32, #tpu.memory_space<hbm>> -> memref<10240xf32, #tpu.memory_space<hbm>>
      %dma_wait3A_144 = arith.constant 0 : i32
      %dma_wait3A_145 = tpu.memref_slice %arg7[%add3A, %dma_wait3A_144] : memref<32x10240xf32, #tpu.memory_space<hbm>> -> memref<1x10240xf32, #tpu.memory_space<hbm>>
      %dma_wait3A_146 = tpu.memref_squeeze %dma_wait3A_145 : memref<1x10240xf32, #tpu.memory_space<hbm>> -> memref<10240xf32, #tpu.memory_space<hbm>>
      tpu.wait_dma2 semaphore(%run_scoped3A_134 : memref<!tpu.dma_semaphore, #tpu.memory_space<semaphore_mem>>) src(%arg10 : memref<10240xf32, #tpu.memory_space<vmem>>) dst(%dma_wait3A_146 : memref<10240xf32, #tpu.memory_space<hbm>>)
      tpu.yield
    }) : () -> ()
    return
  }
}

module attributes {stable_mosaic.version = 14 : i64} {
  func.func @_matmul_body(%arg0: i32, %arg1: memref<2000x128xf32, #tpu.memory_space<vmem>>, %arg2: memref<128x256xf32, #tpu.memory_space<vmem>>, %arg3: memref<2000x128xf32, #tpu.memory_space<vmem>>, %arg4: memref<2000x128xf32, #tpu.memory_space<vmem>>) attributes {dimension_semantics = [#tpu.dimension_semantics<arbitrary>], iteration_bounds = array<i64: 5>, scalar_prefetch = 0 : i64, scratch_operands = 0 : i64, tpu.core_type = #tpu.core_type<tc>, window_params = [{transform_indices = @transform_0, window_bounds = array<i64: 2000, 128>}, {pipeline_mode = #tpu.pipeline_mode<synchronous>, transform_indices = @transform_1, window_bounds = array<i64: 128, 256>}, {transform_indices = @transform_2, window_bounds = array<i64: 2000, 128>}, {transform_indices = @transform_3, window_bounds = array<i64: 2000, 128>}]} {
    %get3A = arith.constant 0 : index
    %get3A_0 = arith.constant 0 : index
    %get3A_1 = vector.load %arg1[%get3A, %get3A_0] : memref<2000x128xf32, #tpu.memory_space<vmem>>, vector<2000x128xf32>
    %get3A_2 = arith.constant 0 : index
    %get3A_3 = arith.constant 0 : index
    %get3A_4 = vector.load %arg2[%get3A_2, %get3A_3] : memref<128x256xf32, #tpu.memory_space<vmem>>, vector<128x256xf32>
    %slice3A = vector.extract_strided_slice %get3A_4 {offsets = [0, 0], sizes = [128, 128], strides = [1, 1]} : vector<128x256xf32> to vector<128x128xf32>
    %slice3A_5 = vector.extract_strided_slice %get3A_4 {offsets = [0, 128], sizes = [128, 128], strides = [1, 1]} : vector<128x256xf32> to vector<128x128xf32>
    %sub3A = arith.subf %slice3A, %slice3A_5 : vector<128x128xf32>
    %dot_general3A = arith.constant dense<0.000000e+00> : vector<2000x128xf32>
    %dot_general3A_6 = tpu.matmul %get3A_1, %sub3A, %dot_general3A {dimension_numbers = #tpu.dot_dimension_numbers<[1], [1], [0], [0], [0, 0, 1, 0], [], []>, precision = #tpu.contract_precision<fp32>, transpose_lhs_hint = false} : vector<2000x128xf32>, vector<128x128xf32>, vector<2000x128xf32> -> vector<2000x128xf32>
    %swap3A = arith.constant 0 : index
    %swap3A_7 = arith.constant 0 : index
    %swap3A_8 = vector.load %arg3[%swap3A, %swap3A_7] : memref<2000x128xf32, #tpu.memory_space<vmem>>, vector<2000x128xf32>
    tpu.vector_store %arg3[%swap3A, %swap3A_7], %dot_general3A_6 {strides = array<i32>} : memref<2000x128xf32, #tpu.memory_space<vmem>>, vector<2000x128xf32>,
    %dot_general3A_9 = arith.constant dense<0.000000e+00> : vector<2000x128xf32>
    %dot_general3A_10 = tpu.matmul %get3A_1, %slice3A_5, %dot_general3A_9 {dimension_numbers = #tpu.dot_dimension_numbers<[1], [1], [0], [0], [0, 0, 1, 0], [], []>, precision = #tpu.contract_precision<fp32>, transpose_lhs_hint = false} : vector<2000x128xf32>, vector<128x128xf32>, vector<2000x128xf32> -> vector<2000x128xf32>
    %swap3A_11 = arith.constant 0 : index
    %swap3A_12 = arith.constant 0 : index
    %swap3A_13 = vector.load %arg4[%swap3A_11, %swap3A_12] : memref<2000x128xf32, #tpu.memory_space<vmem>>, vector<2000x128xf32>
    tpu.vector_store %arg4[%swap3A_11, %swap3A_12], %dot_general3A_10 {strides = array<i32>} : memref<2000x128xf32, #tpu.memory_space<vmem>>, vector<2000x128xf32>,
    return
  }
  func.func @transform_0(%arg0: i32) -> (i32, i32) {
    %c0_i32 = arith.constant 0 : i32
    %c0_i32_0 = arith.constant 0 : i32
    return %arg0, %c0_i32 : i32, i32
  }
  func.func @transform_1(%arg0: i32) -> (i32, i32) {
    %c0_i32 = arith.constant 0 : i32
    %c0_i32_0 = arith.constant 0 : i32
    %c0_i32_1 = arith.constant 0 : i32
    return %c0_i32, %c0_i32_0 : i32, i32
  }
  func.func @transform_2(%arg0: i32) -> (i32, i32) {
    %c0_i32 = arith.constant 0 : i32
    %c0_i32_0 = arith.constant 0 : i32
    return %arg0, %c0_i32 : i32, i32
  }
  func.func @transform_3(%arg0: i32) -> (i32, i32) {
    %c0_i32 = arith.constant 0 : i32
    %c0_i32_0 = arith.constant 0 : i32
    return %arg0, %c0_i32 : i32, i32
  }
}

module attributes {stable_mosaic.version = 14 : i64} {
  func.func @_combine_body(%arg0: i32, %arg1: memref<2000x128xf32, #tpu.memory_space<vmem>>, %arg2: memref<2x2000x128xf32, #tpu.memory_space<vmem>>, %arg3: memref<2000x32xf32, #tpu.memory_space<vmem>>, %arg4: memref<128xf32, #tpu.memory_space<vmem>>, %arg5: memref<2000x128xf32, #tpu.memory_space<vmem>>) attributes {dimension_semantics = [#tpu.dimension_semantics<arbitrary>], iteration_bounds = array<i64: 5>, scalar_prefetch = 0 : i64, scratch_operands = 0 : i64, tpu.core_type = #tpu.core_type<tc>, window_params = [{transform_indices = @transform_0, window_bounds = array<i64: 2000, 128>}, {transform_indices = @transform_1, window_bounds = array<i64: 2, 2000, 128>}, {transform_indices = @transform_2, window_bounds = array<i64: 2000, 32>}, {pipeline_mode = #tpu.pipeline_mode<synchronous>, transform_indices = @transform_3, window_bounds = array<i64: 128>}, {transform_indices = @transform_4, window_bounds = array<i64: 2000, 128>}]} {
    %get3A = arith.constant 0 : index
    %get3A_0 = arith.constant 0 : index
    %get3A_1 = arith.constant 0 : index
    %get3A_2 = vector.load %arg2[%get3A, %get3A_0, %get3A_1] : memref<2x2000x128xf32, #tpu.memory_space<vmem>>, vector<1x2000x128xf32>
    %get3A_3 = vector.shape_cast %get3A_2 : vector<1x2000x128xf32> to vector<2000x128xf32>
    %get3A_4 = arith.constant 1 : index
    %get3A_5 = arith.constant 0 : index
    %get3A_6 = arith.constant 0 : index
    %get3A_7 = vector.load %arg2[%get3A_4, %get3A_5, %get3A_6] : memref<2x2000x128xf32, #tpu.memory_space<vmem>>, vector<1x2000x128xf32>
    %get3A_8 = vector.shape_cast %get3A_7 : vector<1x2000x128xf32> to vector<2000x128xf32>
    %add3A = arith.addf %get3A_3, %get3A_8 : vector<2000x128xf32>
    %get3A_9 = arith.constant 0 : index
    %get3A_10 = arith.constant 0 : index
    %get3A_11 = vector.load %arg3[%get3A_9, %get3A_10] : memref<2000x32xf32, #tpu.memory_space<vmem>>, vector<2000x32xf32>
    %reduce_sum3A = arith.constant dense<0.000000e+00> : vector<2000xf32>
    %reduce_sum3A_12 = vector.multi_reduction <add>, %get3A_11, %reduce_sum3A [1] : vector<2000x32xf32> to vector<2000xf32>
    %broadcast_in_dim3A = vector.shape_cast %reduce_sum3A_12 : vector<2000xf32> to vector<2000x1xf32>
    %gt3A = arith.constant 0.000000e+00 : f32
    %gt3A_13 = vector.broadcast %gt3A : f32 to vector<2000x1xf32>
    %gt3A_14 = arith.cmpf ogt, %broadcast_in_dim3A, %gt3A_13 : vector<2000x1xf32>
    %max3A = arith.constant 1.000000e+00 : f32
    %max3A_15 = vector.broadcast %max3A : f32 to vector<2000x1xf32>
    %max3A_16 = arith.maximumf %broadcast_in_dim3A, %max3A_15 : vector<2000x1xf32>
    %get3A_17 = arith.constant 0 : index
    %get3A_18 = arith.constant 0 : index
    %get3A_19 = vector.load %arg1[%get3A_17, %get3A_18] : memref<2000x128xf32, #tpu.memory_space<vmem>>, vector<2000x128xf32>
    %get3A_20 = arith.constant 0 : index
    %get3A_21 = vector.load %arg4[%get3A_20] : memref<128xf32, #tpu.memory_space<vmem>>, vector<128xf32>
    %broadcast_in_dim3A_22 = vector.shape_cast %get3A_21 : vector<128xf32> to vector<1x128xf32>
    %add3A_23 = vector.broadcast %broadcast_in_dim3A_22 : vector<1x128xf32> to vector<2000x128xf32>
    %add3A_24 = arith.addf %get3A_19, %add3A_23 : vector<2000x128xf32>
    %div3A = vector.broadcast %max3A_16 : vector<2000x1xf32> to vector<2000x128xf32>
    %div3A_25 = arith.divf %add3A, %div3A : vector<2000x128xf32>
    %add3A_26 = arith.addf %add3A_24, %div3A_25 : vector<2000x128xf32>
    %jit3A = arith.constant 0.000000e+00 : f32
    %broadcast_in_dim3A_27 = vector.shape_cast %gt3A_14 : vector<2000x1xi1> to vector<2000x1xi1>
    %broadcast_in_dim3A_28 = vector.broadcast %broadcast_in_dim3A_27 : vector<2000x1xi1> to vector<2000x128xi1>
    %broadcast_in_dim3A_29 = vector.broadcast %jit3A : f32 to vector<2000x128xf32>
    %select_n3A = arith.select %broadcast_in_dim3A_28, %add3A_26, %broadcast_in_dim3A_29 : vector<2000x128xi1>, vector<2000x128xf32>
    %swap3A = arith.constant 0 : index
    %swap3A_30 = arith.constant 0 : index
    %swap3A_31 = vector.load %arg5[%swap3A, %swap3A_30] : memref<2000x128xf32, #tpu.memory_space<vmem>>, vector<2000x128xf32>
    tpu.vector_store %arg5[%swap3A, %swap3A_30], %select_n3A {strides = array<i32>} : memref<2000x128xf32, #tpu.memory_space<vmem>>, vector<2000x128xf32>,
    return
  }
  func.func @transform_0(%arg0: i32) -> (i32, i32) {
    %c0_i32 = arith.constant 0 : i32
    %c0_i32_0 = arith.constant 0 : i32
    return %arg0, %c0_i32 : i32, i32
  }
  func.func @transform_1(%arg0: i32) -> (i32, i32, i32) {
    %c0_i32 = arith.constant 0 : i32
    %c0_i32_0 = arith.constant 0 : i32
    %c0_i32_1 = arith.constant 0 : i32
    return %c0_i32, %arg0, %c0_i32_0 : i32, i32, i32
  }
  func.func @transform_2(%arg0: i32) -> (i32, i32) {
    %c0_i32 = arith.constant 0 : i32
    %c0_i32_0 = arith.constant 0 : i32
    return %arg0, %c0_i32 : i32, i32
  }
  func.func @transform_3(%arg0: i32) -> i32 {
    %c0_i32 = arith.constant 0 : i32
    %c0_i32_0 = arith.constant 0 : i32
    return %c0_i32 : i32
  }
  func.func @transform_4(%arg0: i32) -> (i32, i32) {
    %c0_i32 = arith.constant 0 : i32
    %c0_i32_0 = arith.constant 0 : i32
    return %arg0, %c0_i32 : i32, i32
  }
}

</mosaic_0001>

<sc_bundles>
// kernel: kernel.5.cloned.1.call-start
scs
__scs_entry_jumppad:
0x0: {  	(pc) =	sbr.rel $0x88, $3  }
0x1: {  	(tag) =	ssettag $0x0;
	lr =	simm.s32 $0x1  }
0x2: {  	[smem:$0x3F9D] =	sst lr;
	_ =	strace $0xD0000000  }
0x3: {  	_ = 	snop  }
0x4: {  	_ = 	snop  }
0x5: {  	_ = 	snop  }
0x6: {  	_ = 	snop  }
0x7: {  	_ = 	snop  }
__scs_overlays_trampoline_lowered:
0x8: {  	[smem:$0x3FAC] =	sst s0  }
0x9: {  	[smem:$0x3FAD] =	sst s1  }
0xa: {  	[smem:$0x3FAE] =	sst s2  }
0xb: {  	[smem:$0x3FAF] =	sst s3  }
0xc: {  	[smem:$0x3FB0] =	sst s4  }
0xd: {  	[smem:$0x3FB1] =	sst s5  }
0xe: {  	[smem:$0x3FB2] =	sst s6  }
0xf: {  	[smem:$0x3FB3] =	sst s7  }
0x10: {  	[smem:$0x3FB4] =	sst s8  }
0x11: {  	[smem:$0x3FB5] =	sst s9;
	s0 =	simm.s32 @!p0 $0x0  }
0x12: {  	s1 =	sld [smem:$0x3F9B];
	s0 =	simm.s32 @p0 $0x1  }
0x13: {  	[smem:$0x3FB6] =	sst s0;
	s0 =	simm.s32 @!p1 $0x0  }
0x14: {  	s2 =	sld [smem:$0x3F9A];
	s0 =	simm.s32 @p1 $0x1  }
0x15: {  	[smem:$0x3FB7] =	sst s0;
	s0 =	simm.s32 @!p2 $0x0  }
0x16: {  	s3 =	sld [smem:$0x3FDB];
	s0 =	simm.s32 @p2 $0x1  }
0x17: {  	s4 =	simm.s32 $0x1BF5;
	[smem:$0x3FB9] =	sst s0  }
0x18: {  	s0 =	sld [smem:$0x3F9C];
	_ =	swait.ge [sflag:s4], $0x0  }
0x19: {  	s7 =	sld [smem:$0x3F9D]  }
0x1a: {  	s8 =	sadd.s32 $0xFFFFE003, lr  }
0x1b: {  	s9 =	sadd.s32 $0xFFFFFEF7, lr;
	s5 =	simm.s32 $0xFFFFFFFF;
	p2 =	slt.u32 s8, $0xFFFFF086  }
0x1c: {  	p1 =	slt.u32 s9, $0xF7A;
	s5 =	simm.s32 @!p2 $0x0  }
0x1d: {  	s5 =	simm.s32 @p1 $0x1;
	p0 =	seq.s32 s7, s2  }
0x1e: {  	s7 =	smul.u32 @!p0 $0xF7A, s2;
	p2 =	seq.s32 @!p0 s5, $0x0  }
0x1f: {  	s9 =	smul.u32 $0xF7A, s1;
	s8 =	simm.s32 @!p0 $0x1BF5;
	p2 =	por !p2, p0  }
0x20: {  	[sflag:s8] =	ssyncset.s32 @!p0 $0xFFFFF086;
	s6 =	sadd.s32 @!p0 s3, s7;
	s7 =	simm.s32 @!p0 $0x108  }
0x21: {  	s3 =	sadd.s32 s3, s9;
	s6 =	sadd.s32 @!p0 $0x88, s6;
	s7 =	simm.s32 @p2 $0x1082  }
0x22: {  	[simem:s7], [sflag:s8] =	dma.local @!p0 [hbm:s6], $0xF7A  }
0x23: {  	s9 =	sor.u32 $0xD0000000, s2;
	s6 =	simm.s32 $0x108;
	_ =	swait.ge @!p0 [sflag:s8], $0x0  }
0x24: {  	s3 =	sadd.s32 $0x88, s3;
	s6 =	simm.s32 @!p1 $0x1082;
	[sflag:s4] =	ssyncset.s32 $0xFFFFF086  }
0x25: {  	[simem:s6], [sflag:s4] =	dma.local [hbm:s3], $0xF7A  }
0x26: {  	[smem:$0x3F9D] =	sst s1;
	(tag) =	ssettag s2;
	_ =	strace s9  }
0x27: {  	s1 =	sld [smem:$0x3FAD]  }
0x28: {  	s2 =	sld [smem:$0x3FAE]  }
0x29: {  	s4 =	sld [smem:$0x3FB0]  }
0x2a: {  	p0 =	seq.s32 s5, $0x0;
	s5 =	sld [smem:$0x3FB1]  }
0x2b: {  	s6 =	sld [smem:$0x3FB2]  }
0x2c: {  	s7 =	sld [smem:$0x3FB3]  }
0x2d: {  	s3 =	simm.s32 $0x108;
	s8 =	sld [smem:$0x3FB4]  }
0x2e: {  	s3 =	simm.s32 @!p0 $0x1082;
	s9 =	sld [smem:$0x3FB5]  }
0x2f: {  	lr =	sadd.s32 s0, s3;
	s0 =	sld [smem:$0x3FAC]  }
0x30: {  	s3 =	sld [smem:$0x3FAF]  }
0x31: {  	[smem:$0x3FB8] =	sst s10  }
0x32: {  	s10 =	sld [smem:$0x3FB6];
	_ =	sdelay $0x3  }
0x33: {  	p0 =	seq.s32 s10, $0x1;
	s10 =	sld [smem:$0x3FB8];
	_ =	sdelay $0x3  }
0x34: {  	[smem:$0x3FB8] =	sst s10  }
0x35: {  	s10 =	sld [smem:$0x3FB7];
	_ =	sdelay $0x3  }
0x36: {  	p1 =	seq.s32 s10, $0x1;
	s10 =	sld [smem:$0x3FB8];
	_ =	sdelay $0x3  }
0x37: {  	[smem:$0x3FB8] =	sst s10  }
0x38: {  	s10 =	sld [smem:$0x3FB9]  }
0x39: {  	_ = 	snop;
	(pc) =	sbr.ind lr, $3  }
0x3a: {  	_ = 	snop  }
0x3b: {  	_ = 	snop  }
0x3c: {  	p2 =	seq.s32 s10, $0x1;
	s10 =	sld [smem:$0x3FB8]  }
0x3d: {  	_ =	shalt  }
0x3e: {  	_ =	shalt  }
0x3f: {  	_ =	shalt  }
0x40: {  	_ =	shalt  }
0x41: {  	_ =	shalt  }
0x42: {  	_ =	shalt  }
0x43: {  	_ =	shalt  }
0x44: {  	_ =	shalt  }
0x45: {  	_ =	shalt  }
0x46: {  	_ =	shalt  }
0x47: {  	_ =	shalt  }
0x48: {  	_ =	shalt  }
0x49: {  	_ =	shalt  }
0x4a: {  	_ =	shalt  }
0x4b: {  	_ =	shalt  }
0x4c: {  	_ =	shalt  }
0x4d: {  	_ =	shalt  }
0x4e: {  	_ =	shalt  }
0x4f: {  	_ =	shalt  }
0x50: {  	_ =	shalt  }
0x51: {  	_ =	shalt  }
0x52: {  	_ =	shalt  }
0x53: {  	_ =	shalt  }
0x54: {  	_ =	shalt  }
0x55: {  	_ =	shalt  }
0x56: {  	_ =	shalt  }
0x57: {  	_ =	shalt  }
0x58: {  	_ =	shalt  }
0x59: {  	_ =	shalt  }
0x5a: {  	_ =	shalt  }
0x5b: {  	_ =	shalt  }
0x5c: {  	_ =	shalt  }
0x5d: {  	_ =	shalt  }
0x5e: {  	_ =	shalt  }
0x5f: {  	_ =	shalt  }
0x60: {  	_ =	shalt  }
0x61: {  	_ =	shalt  }
0x62: {  	_ =	shalt  }
0x63: {  	_ =	shalt  }
0x64: {  	_ =	shalt  }
0x65: {  	_ =	shalt  }
0x66: {  	_ =	shalt  }
0x67: {  	_ =	shalt  }
0x68: {  	_ =	shalt  }
0x69: {  	_ =	shalt  }
0x6a: {  	_ =	shalt  }
0x6b: {  	_ =	shalt  }
0x6c: {  	_ =	shalt  }
0x6d: {  	_ =	shalt  }
0x6e: {  	_ =	shalt  }
0x6f: {  	_ =	shalt  }
0x70: {  	_ =	shalt  }
0x71: {  	_ =	shalt  }
0x72: {  	_ =	shalt  }
0x73: {  	_ =	shalt  }
0x74: {  	_ =	shalt  }
0x75: {  	_ =	shalt  }
0x76: {  	_ =	shalt  }
0x77: {  	_ =	shalt  }
0x78: {  	_ =	shalt  }
0x79: {  	_ =	shalt  }
0x7a: {  	_ =	shalt  }
0x7b: {  	_ =	shalt  }
0x7c: {  	_ =	shalt  }
0x7d: {  	_ =	shalt  }
0x7e: {  	_ =	shalt  }
0x7f: {  	_ =	shalt  }
0x80: {  	_ =	shalt  }
0x81: {  	_ =	shalt  }
0x82: {  	_ =	shalt  }
0x83: {  	_ =	shalt  }
0x84: {  	_ =	shalt  }
0x85: {  	_ =	shalt  }
0x86: {  	_ =	shalt  }
0x87: {  	_ =	shalt  }
.Lfunc_end0:
.L_simem_size_0:
called_computation_lowered:
.L_overlay_start_0:
0x88: {  	s2 =	sld [smem:$0x3FD9]  }
0x89: {  	s3 =	sld [smem:$0x3FFE];
	_ =	sdelay $0x1  }
0x8a: {  	s1 =	srdreg.scid  }
0x8b: {  	s0 =	sand.u32 $0x1, s1  }
0x8c: {  	s17 =	sshll.u32 s0, $0xA;
	s2 =	sadd.s32 s3, s2  }
0x8d: {  	s2 =	sadd.s32 s2, s17  }
0x8e: {  	[smem:$0x3FC4] =	sst s2  }
0x8f: {  	_ = 	snop  }
0x90: {  	s2 =	sld [smem:$0x3FD0];
	(tm) =	ssettm $0x1  }
0x91: {  	s18 =	sld [smem:$0x3FFB];
	_ =	sdelay $0x3  }
0x92: {  	_ =	strace s18  }
0x93: {  	s3 =	sld [smem:$0x3FFC];
	_ =	sdelay $0x3  }
0x94: {  	_ =	strace s3  }
0x95: {  	s3 =	sld [smem:$0x3FFD];
	_ =	sdelay $0x3  }
0x96: {  	_ =	strace s3  }
0x97: {  	_ =	strace $0x8FFFFFFF  }
0x98: {  	s19 =	sld [smem:$0x3FDB];
	_ =	sdelay $0x1  }
0x99: {  	s4 =	simm.s32 $_scs_section_size  }
0x9a: {  	s5 =	simm.s32 $_size__tile_overlayer_lowered;
	s6 =	simm.s32 $_tile_overlayer_lowered  }
0x9b: {  	s22 =	simm.s32 $0x1BFF;
	s21 =	sshll.u32 s6, $0x1;
	s3 =	sadd.s32 s4, s19  }
0x9c: {  	s7 =	simm.s32 $0x0;
	s20 =	sshll.u32 s5, $0x1;
	s5 =	sadd.s32 s21, s3  }
0x9d: {  	[timem:s7], [sflag:s22] =	dma.local [hbm:s5], s20  }
0x9e: {  	_ =	swait.ge [sflag:s22], s20  }
0x9f: {  	s4 =	ssub.s32 $0x0, s20;
	[sflag:s22] =	ssyncset.done $0x0  }
0xa0: {  	[sflag:s22] =	ssyncadd.s32 s4;
	_ =	sdelay $0x1  }
0xa1: {  	s23 =	simm.s32 $0x1B8B  }
0xa2: {  	_ =	swait.ge [sflag:s23], $0x1  }
0xa3: {  	[sflag:s23] =	ssyncset.done $0x0  }
0xa4: {  	s25 =	simm.s32 $0x1B8E;
	s24 =	sld [smem:$0x3FFE];
	[sflag:s23] =	ssyncadd.s32 $0xFFFFFFFF  }
0xa5: {  	s26 =	simm.s32 $execute0_lowered;
	[smem:$0x3FD2] =	sst s25  }
0xa6: {  	s5 =	sshll.u32 s26, $0x1;
	_ =	strace $0x80000046;
	[dreg:$0x1] =	wrdreg $0xFFFFFFFF  }
0xa7: {  	s28 =	simm.s32 $_size_execute0_lowered;
	s3 =	sadd.s32 s3, s5;
	[dreg:$0x0] =	wrdreg $0x0  }
0xa8: {  	s5 =	sshll.u32 s28, $0x1;
	[dreg:$0x2] =	wrdreg s3  }
0xa9: {  	[dreg:$0x3] =	wrdreg s5  }
0xaa: {  	[dreg:$0x4] =	wrdreg $0xC0  }
0xab: {  	_ =	task [dreg:s7], $0x5FFFF  }
0xac: {  	[dreg:$0x1] =	wrdreg $0xFFFFFFFF  }
0xad: {  	[dreg:$0x0] =	wrdreg $0x60  }
0xae: {  	[dreg:$0x2] =	wrdreg s2  }
0xaf: {  	[dreg:$0x3] =	wrdreg s24  }
0xb0: {  	[dreg:$0x4] =	wrdreg $0xAC000  }
0xb1: {  	[dreg:$0x5] =	wrdreg $0x9  }
0xb2: {  	_ =	task.clear_ibuf [dreg:s7], $0x6FFFF;
	_ =	strace $0x90000046  }
0xb3: {  	s29 =	simm.s32 $0x9;
	_ =	strace $0x80000048  }
0xb4: {  	_ =	swait.ge [sflag:s29], $0x1  }
0xb5: {  	[sflag:s29] =	ssyncadd.s32 $0xFFFFFFFF  }
0xb6: {  	_ =	strace $0x90000048  }
0xb7: {  	_ =	sfence  }
0xb8: {  	s30 =	sld [smem:$0x0];
	_ =	sdelay $0x2  }
0xb9: {  	s31 =	sshll.u32 s1, $0xD;
	s1 =	sshrl.u32 s1, $0x2  }
0xba: {  	s3 =	sand.u32 $0x4000, s31;
	s1 =	sadd.s32 s1, s30  }
0xbb: {  	s0 =	sor.u32 s3, s0;
	s1 =	sshll.u32 s1, $0x11  }
0xbc: {  	s0 =	sor.u32 s1, s0  }
0xbd: {  	s0 =	sadd.s32 $0x8F2B, s0  }
0xbe: {  	[sflag:s0] =	ssyncadd.remote.s32 $0x1  }
0xbf: {  	_ =	sfence.sel $0xFFFF  }
0xc0: {  	[dreg:$0x0] =	wrdreg $0xFFFFFFFF;
	(pc) =	sbr.abs _section_cstart, $3  }
0xc1: {  	[dreg:$0x1] =	wrdreg $0xFFFFFFFF  }
0xc2: {  	_ =	task.clear_ibuf [dreg:s7], $0x2FFFF;
	_ =	strace $0x9FFFFFFF  }
0xc3: {  	(tm) =	ssettm $0x7FFFFFFF  }
tec
execute0_lowered:
.L_overlay_start_1:
0x0: {  	(tag) =	ssettag $0x1  }
0x1: {  	s2 =	rddreg [dreg:$0x0]  }
0x2: {  	s7 =	rddreg [dreg:$0x1]  }
0x3: {  	s3 =	rddreg [dreg:$0x2];
	s0 =	stileid.u32  }
0x4: {  	s5 =	srdreg.scid;
	s4 =	simm.s32 $0x0;
	s17 =	simm.s32 $0x80  }
0x5: {  	s18 =	simm.s32 $0x400;
	s20 =	simm.s32 $0x3;
	s21 =	simm.s32 $0x1  }
0x6: {  	s22 =	simm.s32 $0x280;
	s6 =	smul.u32 $0x4F, s0;
	s8 =	sand.u32 $0x1, s5  }
0x7: {  	[smem:$0x7FF] =	sst s4;
	s10 =	smul.u32 $0x13C00, s0;
	s12 =	sshll.u32 s0, $0x7  }
0x8: {  	s25 =	smul.u32 $0x4F000, s0;
	s31 =	sshll.u32 s0, $0x6;
	p0 =	seq.s32 s8, $0x0  }
0x9: {  	_ =	strace $0x80000047;
	s23 =	sshll.u32 s8, $0x4;
	s9 =	smul.u32 $0x13C000, s8  }
0xa: {  	s24 =	sand.u32 $0x380, s12;
	s8 =	ssub.s32 $0x2, s8;
	s5 =	sadd.s32 $0x4F0, s6  }
0xb: {  	s29 =	sshrl.u32 s8, $0x1;
	s30 =	sshrl.u32 s25, $0x2;
	s5 =	smov.u32 @p0 s6  }
0xc: {  	s6 =	sor.u32 s0, s23;
	s9 =	sadd.s32 s10, s9;
	s15 =	ssub.s32 s8, s29  }
0xd: {  	s16 =	sadd.s32 s30, s3;
	s23 =	simm.s32 $0x2;
	s5 =	sshll.u32 s5, $0x5  }
0xe: {  	s6 =	sshrl.u32 s6, $0x3;
	s9 =	sshrl.u32 s9, $0x3;
	s12 =	smax.u32 s15, $0x1  }
0xf: {  	s15 =	simm.s32 $0x4;
	s13 =	sadd.s32 s5, s7;
	s11 =	smul.u32 $0x14000, s6  }
0x10: {  	s5 =	sadd.s32 $0x15400, s7;
	s6 =	sadd.s32 $0x14E00, s7;
	s26 =	sadd.s32 s9, s7  }
0x11: {  	s8 =	sadd.s32 $0x1200, s13;
	s9 =	sadd.s32 $0x1220, s13;
	s10 =	sor.u32 s24, s11  }
0x12: {  	s13 =	sadd.s32 $0x1240, s13;
	s24 =	simm.s32 $0x0;
	s28 =	sshrl.u32 s10, $0x3  }
0x13: {  	s10 =	sadd.s32 $0x21C00, s26;
	s14 =	sadd.s32 s28, s7;
	s7 =	sor.u32 $0x1C04, s31  }
0x14: {  	v0 =	vimm.f32 $1.000000000e+00;
	s11 =	sadd.s32 $0x17C00, s14;
	s14 =	sshrl.u32 s16, $0x3;
	s16 =	simm.s32 $0x8400  }
.LBB2_1:
0x15: {  	[spmem:s14], [sflag:s7] =	dma.local [hbm:s5], $0x2780  }
0x16: {  	_ =	swait.ge [sflag:s15], $0x2780  }
0x17: {  	[sflag:s15] =	ssyncset.done $0x0  }
0x18: {  	[sflag:s15] =	ssyncadd.s32 $0xFFFFD880  }
0x19: {  	[tilespmem:s16], [sflag:$0x4] =	stream.linear.gather [hbm4b:s6+s4], $0x2800, $0x38;
	[tilespmem:$0x1E800] =	vst v63  }
0x1a: {  	_ =	swait.ge [sflag:s15], $0x2800  }
0x1b: {  	[sflag:s15] =	ssyncset.done $0x0  }
0x1c: {  	[sflag:s15] =	ssyncadd.s32 $0xFFFFD800  }
0x1d: {  	[bflag:$0x0] =	sbarrier.arrive $0xFFFF  }
0x1e: {  	[tilespmem:s4], [sflag:$0x4] =	stream.linear.gather [hbm4b:s8+s4], $0x100, $0x38;
	[tilespmem:$0x1E800] =	vst v63  }
0x1f: {  	_ =	swait.ge [sflag:s15], $0x100  }
0x20: {  	[sflag:s15] =	ssyncset.done $0x0  }
0x21: {  	s0 =	simm.s32 $0x100;
	s25 =	simm.s32 $0x200;
	[sflag:s15] =	ssyncadd.s32 $0xFFFFFF00  }
0x22: {  	[tilespmem:s18], [sflag:$0x1] =	stream.indirect.gather [hbm4b:s2+s17], $0x80, s4, s17, $0xb8;
	[tilespmem:$0x1E800] =	vst v63  }
0x23: {  	s26 =	simm.s32 $0x0;
	s28 =	simm.s32 $0x0;
	s29 =	smov.u32 s13  }
0x24: {  	[tilespmem:s0], [sflag:$0x3] =	stream.linear.gather [hbm4b:s9+s4], $0x100, $0x38;
	[tilespmem:$0x1E800] =	vst v63  }
.LBB2_2:
0x25: {  	s30 =	sadd.s32 $0x1, s26  }
0x26: {  	p0 =	slt.u32 s30, $0x2  }
0x27: {  	s30 =	simm.s32 @!p0 $0x2  }
0x28: {  	_ =	swait.ge @!p0 [sflag:s30], $0x4000  }
0x29: {  	[sflag:s30] =	ssyncset.done @!p0 $0x0  }
0x2a: {  	[sflag:s30] =	ssyncadd.s32 @!p0 $0xFFFFC000  }
0x2b: {  	s1 =	sxor.u32 $0xFFFFFFFF, s28;
	_ =	swait.ge [sflag:s20], $0x100  }
0x2c: {  	s31 =	sadd.s32 $0xFFFFFF00, s25;
	s30 =	sand.u32 $0x4000, s1;
	[sflag:s20] =	ssyncset.done $0x0  }
0x2d: {  	s31 =	sand.u32 $0x300, s31;
	s30 =	sor.u32 $0x400, s30;
	[sflag:s20] =	ssyncadd.s32 $0xFFFFFF00  }
0x2e: {  	[tilespmem:s30], [sflag:$0x1] =	stream.indirect.gather [hbm4b:s2+s17], $0x80, s31, s17, $0xb8;
	[tilespmem:$0x1E800] =	vst v63  }
0x2f: {  	s19 =	sand.u32 $0x4000, s28;
	s30 =	sand.u32 $0x3, s26  }
0x30: {  	s31 =	sor.u32 $0x400, s19;
	_ =	swait.ge [sflag:s21], $0x4000;
	p0 =	sgt.s32 s30, $0x1  }
0x31: {  	s1 =	sshll.u32 s30, $0x8;
	[sflag:s21] =	ssyncset.done $0x0;
	p2 =	seq.s32 @p0 s30, $0x2  }
0x32: {  	s1 =	sor.u32 $0x80, s1;
	[sflag:s21] =	ssyncadd.s32 $0xFFFFC000;
	p1 =	por !p2, !p0  }
0x33: {  	[spmem:s3] =	stream.indirect.scatter.add.f32 [tilespmem:s31], [sflag:$0x2], $0x80, s1, s17, $0xb8;
	[tilespmem:$0x1E800] =	vst v63  }
0x34: {  	v1 =	vld @!p1 [tilespmem:$0x280];
	_ =	sdelay $0x6  }
0x35: {  	v2 =	vimm.f32 @!p1 $1.000000000e+00;
	s1 =	simm.s32 @!p1 $0x8400  }
0x36: {  	[tilespmem:v1+s1+$0x0] =	vst.idx.add.f32.msk @!p1 $0xffff, v2  }
0x37: {  	v1 =	vld @!p1 [tilespmem:$0x290];
	_ =	sdelay $0x7  }
0x38: {  	[tilespmem:v1+s1+$0x0] =	vst.idx.add.f32.msk @!p1 $0xffff, v2  }
0x39: {  	v1 =	vld @!p1 [tilespmem:$0x2A0];
	_ =	sdelay $0x7  }
0x3a: {  	[tilespmem:v1+s1+$0x0] =	vst.idx.add.f32.msk @!p1 $0xffff, v2  }
0x3b: {  	v1 =	vld @!p1 [tilespmem:$0x2B0];
	_ =	sdelay $0x7  }
0x3c: {  	[tilespmem:v1+s1+$0x0] =	vst.idx.add.f32.msk @!p1 $0xffff, v2  }
0x3d: {  	v1 =	vld @!p1 [tilespmem:$0x2C0];
	_ =	sdelay $0x7  }
0x3e: {  	[tilespmem:v1+s1+$0x0] =	vst.idx.add.f32.msk @!p1 $0xffff, v2  }
0x3f: {  	v1 =	vld @!p1 [tilespmem:$0x2D0];
	_ =	sdelay $0x7  }
0x40: {  	p2 =	por p2, !p0;
	[tilespmem:v1+s1+$0x0] =	vst.idx.add.f32.msk @!p1 $0xffff, v2  }
0x41: {  	v1 =	vld @!p2 [tilespmem:$0x380];
	_ =	sdelay $0x6  }
0x42: {  	v2 =	vimm.f32 @!p2 $1.000000000e+00;
	s1 =	simm.s32 @!p2 $0x8400  }
0x43: {  	[tilespmem:v1+s1+$0x0] =	vst.idx.add.f32.msk @!p2 $0xffff, v2  }
0x44: {  	v1 =	vld @!p2 [tilespmem:$0x390];
	_ =	sdelay $0x7  }
0x45: {  	[tilespmem:v1+s1+$0x0] =	vst.idx.add.f32.msk @!p2 $0xffff, v2  }
0x46: {  	v1 =	vld @!p2 [tilespmem:$0x3A0];
	_ =	sdelay $0x7  }
0x47: {  	[tilespmem:v1+s1+$0x0] =	vst.idx.add.f32.msk @!p2 $0xffff, v2  }
0x48: {  	v1 =	vld @!p2 [tilespmem:$0x3B0];
	_ =	sdelay $0x7  }
0x49: {  	[tilespmem:v1+s1+$0x0] =	vst.idx.add.f32.msk @!p2 $0xffff, v2  }
0x4a: {  	v1 =	vld @!p2 [tilespmem:$0x3C0];
	_ =	sdelay $0x7  }
0x4b: {  	[tilespmem:v1+s1+$0x0] =	vst.idx.add.f32.msk @!p2 $0xffff, v2  }
0x4c: {  	v1 =	vld @!p2 [tilespmem:$0x3D0];
	_ =	sdelay $0x6  }
0x4d: {  	p3 =	seq.s32 @!p0 s30, $0x0  }
0x4e: {  	[tilespmem:v1+s1+$0x0] =	vst.idx.add.f32.msk @!p2 $0xffff, v2;
	p2 =	por !p3, p0  }
0x4f: {  	v1 =	vld @!p2 [tilespmem:$0x80];
	_ =	sdelay $0x6  }
0x50: {  	v2 =	vimm.f32 @!p2 $1.000000000e+00;
	s1 =	simm.s32 @!p2 $0x8400  }
0x51: {  	[tilespmem:v1+s1+$0x0] =	vst.idx.add.f32.msk @!p2 $0xffff, v2  }
0x52: {  	v1 =	vld @!p2 [tilespmem:$0x90];
	_ =	sdelay $0x7  }
0x53: {  	[tilespmem:v1+s1+$0x0] =	vst.idx.add.f32.msk @!p2 $0xffff, v2  }
0x54: {  	v1 =	vld @!p2 [tilespmem:$0xA0];
	_ =	sdelay $0x7  }
0x55: {  	[tilespmem:v1+s1+$0x0] =	vst.idx.add.f32.msk @!p2 $0xffff, v2  }
0x56: {  	v1 =	vld @!p2 [tilespmem:$0xB0];
	_ =	sdelay $0x7  }
0x57: {  	[tilespmem:v1+s1+$0x0] =	vst.idx.add.f32.msk @!p2 $0xffff, v2  }
0x58: {  	v1 =	vld @!p2 [tilespmem:$0xC0];
	_ =	sdelay $0x7  }
0x59: {  	[tilespmem:v1+s1+$0x0] =	vst.idx.add.f32.msk @!p2 $0xffff, v2  }
0x5a: {  	v1 =	vld @!p2 [tilespmem:$0xD0];
	_ =	sdelay $0x7  }
0x5b: {  	p3 =	por p3, p0;
	[tilespmem:v1+s1+$0x0] =	vst.idx.add.f32.msk @!p2 $0xffff, v2  }
0x5c: {  	v1 =	vld @!p3 [tilespmem:$0x180];
	_ =	sdelay $0x6  }
0x5d: {  	v2 =	vimm.f32 @!p3 $1.000000000e+00;
	s1 =	simm.s32 @!p3 $0x8400  }
0x5e: {  	[tilespmem:v1+s1+$0x0] =	vst.idx.add.f32.msk @!p3 $0xffff, v2  }
0x5f: {  	v1 =	vld @!p3 [tilespmem:$0x190];
	_ =	sdelay $0x7  }
0x60: {  	[tilespmem:v1+s1+$0x0] =	vst.idx.add.f32.msk @!p3 $0xffff, v2  }
0x61: {  	v1 =	vld @!p3 [tilespmem:$0x1A0];
	_ =	sdelay $0x7  }
0x62: {  	[tilespmem:v1+s1+$0x0] =	vst.idx.add.f32.msk @!p3 $0xffff, v2  }
0x63: {  	v1 =	vld @!p3 [tilespmem:$0x1B0];
	_ =	sdelay $0x7  }
0x64: {  	[tilespmem:v1+s1+$0x0] =	vst.idx.add.f32.msk @!p3 $0xffff, v2  }
0x65: {  	v1 =	vld @!p3 [tilespmem:$0x1C0];
	_ =	sdelay $0x7  }
0x66: {  	[tilespmem:v1+s1+$0x0] =	vst.idx.add.f32.msk @!p3 $0xffff, v2  }
0x67: {  	v1 =	vld @!p3 [tilespmem:$0x1D0];
	_ =	sdelay $0x5  }
0x68: {  	s0 =	simm.s32 @!p1 $0x2E0;
	s31 =	simm.s32 @!p2 $0xE0  }
0x69: {  	s0 =	simm.s32 @p1 $0x3E0;
	s31 =	simm.s32 @p2 $0x1E0  }
0x6a: {  	s31 =	smov.u32 @p0 s0;
	[tilespmem:v1+s1+$0x0] =	vst.idx.add.f32.msk @!p3 $0xffff, v2  }
0x6b: {  	v1 =	vld [tilespmem:s31+$0x0];
	_ =	sdelay $0x5  }
0x6c: {  	s19 =	simm.s32 @!p1 $0x2F0;
	s30 =	simm.s32 @!p2 $0xF0  }
0x6d: {  	s19 =	simm.s32 @p1 $0x3F0;
	s30 =	simm.s32 @p2 $0x1F0  }
0x6e: {  	s30 =	smov.u32 @p0 s19;
	[tilespmem:v1+s16+$0x0] =	vst.idx.add.f32.msk $0xffff, v0  }
0x6f: {  	v1 =	vld [tilespmem:s30+$0x0];
	_ =	sdelay $0x1  }
0x70: {  	p0 =	seq.s32 s25, $0x4F00  }
0x71: {  	s0 =	sand.u32 @!p0 $0x300, s25;
	s25 =	sadd.s32 @!p0 $0x100, s25  }
0x72: {  	p1 =	sne.s32 @!p0 s25, $0x5000  }
0x73: {  	p1 =	por p0, !p1  }
.Ltmp0:
0x74: {  	_ = 	snop;
	(pc) =	sbr.rel @!p1 .LBB2_2-.Ltmp0, $4  }
0x75: {  	_ = 	snop  }
0x76: {  	s1 =	simm.s32 @!p0 $0x0;
	[tilespmem:v1+s16+$0x0] =	vst.idx.add.f32.msk $0xffff, v0  }
0x77: {  	[tilespmem:s0], [sflag:$0x3] =	stream.linear.gather @!p0 [hbm4b:s29+s1], $0x100, $0x38;
	[tilespmem:$0x1E800] =	vst v63  }
0x78: {  	s28 =	sadd.s32 @!p0 $0x4000, s28;
	s26 =	sadd.s32 @!p0 $0x1, s26;
	s29 =	sadd.s32 @!p0 $0x20, s29  }
0x79: {  	_ =	swait.ge [sflag:s21], $0x4000  }
0x7a: {  	[sflag:s21] =	ssyncset.done $0x0  }
0x7b: {  	[sflag:s21] =	ssyncadd.s32 $0xFFFFC000  }
0x7c: {  	[spmem:s3] =	stream.indirect.scatter.add.f32 [tilespmem:s18], [sflag:$0x2], $0x80, s22, s17, $0xb8;
	[tilespmem:$0x1E800] =	vst v63  }
0x7d: {  	v1 =	vld [tilespmem:$0x280];
	_ =	sdelay $0x7  }
0x7e: {  	[tilespmem:v1+s16+$0x0] =	vst.idx.add.f32.msk $0xffff, v0  }
0x7f: {  	v1 =	vld [tilespmem:$0x290];
	_ =	sdelay $0x7  }
0x80: {  	[tilespmem:v1+s16+$0x0] =	vst.idx.add.f32.msk $0xffff, v0  }
0x81: {  	v1 =	vld [tilespmem:$0x2A0];
	_ =	sdelay $0x7  }
0x82: {  	[tilespmem:v1+s16+$0x0] =	vst.idx.add.f32.msk $0xffff, v0  }
0x83: {  	v1 =	vld [tilespmem:$0x2B0];
	_ =	sdelay $0x7  }
0x84: {  	[tilespmem:v1+s16+$0x0] =	vst.idx.add.f32.msk $0xffff, v0  }
0x85: {  	v1 =	vld [tilespmem:$0x2C0];
	_ =	sdelay $0x7  }
0x86: {  	[tilespmem:v1+s16+$0x0] =	vst.idx.add.f32.msk $0xffff, v0  }
0x87: {  	v1 =	vld [tilespmem:$0x2D0];
	_ =	sdelay $0x7  }
0x88: {  	[tilespmem:v1+s16+$0x0] =	vst.idx.add.f32.msk $0xffff, v0  }
0x89: {  	v1 =	vld [tilespmem:$0x2E0];
	_ =	sdelay $0x7  }
0x8a: {  	[tilespmem:v1+s16+$0x0] =	vst.idx.add.f32.msk $0xffff, v0  }
0x8b: {  	v1 =	vld [tilespmem:$0x2F0];
	_ =	sdelay $0x7  }
0x8c: {  	[tilespmem:v1+s16+$0x0] =	vst.idx.add.f32.msk $0xffff, v0  }
0x8d: {  	_ =	swait.ge [sflag:s23], $0x4000  }
0x8e: {  	[sflag:s23] =	ssyncset.done $0x0  }
0x8f: {  	[sflag:s23] =	ssyncadd.s32 $0xFFFFC000  }
0x90: {  	_ =	swait.ge [sflag:s23], $0x4000  }
0x91: {  	[sflag:s23] =	ssyncset.done $0x0  }
0x92: {  	[sflag:s23] =	ssyncadd.s32 $0xFFFFC000  }
0x93: {  	[bflag:$0x0] =	sbarrier.arrive $0xFFFF  }
0x94: {  	[hbm:s10], [sflag:s7] =	dma.local [spmem:s14], $0x2780  }
0x95: {  	s24 =	sadd.s32 $0x1, s24;
	_ =	swait.ge [sflag:s15], $0x2780  }
0x96: {  	p0 =	sne.s32 s24, s12;
	[sflag:s15] =	ssyncset.done $0x0  }
.Ltmp1:
0x97: {  	[sflag:s15] =	ssyncadd.s32 $0xFFFFD880;
	(pc) =	sbr.rel @p0 .LBB2_1-.Ltmp1, $4  }
0x98: {  	[hbm4b:s11+s17] =	stream.strided.scatter [tilespmem:s16], [sflag:$0x4], $0x2800, s18, s17, $0x38;
	[tilespmem:$0x1E800] =	vst v63  }
0x99: {  	_ =	swait.ge [sflag:s15], $0x2800  }
0x9a: {  	[sflag:s15] =	ssyncset.done $0x0  }
0x9b: {  	[sflag:s15] =	ssyncadd.s32 $0xFFFFD800  }
0x9c: {  	_ =	sfence.sel $0x180000  }
0x9d: {  	[bflag:$0x0] =	sbarrier.arrive $0xFFFF  }
0x9e: {  	_ =	strace $0x90000047  }
0x9f: {  	s0 =	stileid.u32;
	[bflag:$0x2] =	sbarrier.arrive $0xFFFF  }
0xa0: {  	p0 =	sne.s32 s0, $0x0;
	s0 =	rddreg [dreg:$0x3]  }
0xa1: {  	s0 =	sadd.s32 @!p0 $0x100000, s0  }
0xa2: {  	[sflag:s0] =	ssyncadd.tile.s32 @!p0 $0x1;
	_ =	shalt  }
.Lfunc_end2:
_tile_overlayer_lowered:
.L_overlay_start_2:
0xa3: {  	(tag) =	ssettag $0x2  }
0xa4: {  	s0 =	rddreg [dreg:$0x0];
	s2 =	stileid.u32  }
0xa5: {  	s1 =	rddreg [dreg:$0x1];
	p0 =	sne.s32 s2, $0x0  }
0xa6: {  	s3 =	rddreg [dreg:$0x2];
	[bflag:$0x3] =	sbarrier.arrive $0xFFFF;
	s2 =	simm.s32 @!p0 $0x1C04  }
0xa7: {  	[timem:s3], [sflag:s2] =	dma.local @!p0 [hbm:s0], s1  }
0xa8: {  	s0 =	simm.s32 @!p0 $0x4  }
0xa9: {  	_ =	swait.ge @!p0 [sflag:s0], s1  }
0xaa: {  	s1 =	ssub.s32 @!p0 $0x0, s1;
	[sflag:s0] =	ssyncset.done @!p0 $0x0  }
0xab: {  	[sflag:s0] =	ssyncadd.s32 @!p0 s1  }
0xac: {  	[bflag:$0x3] =	sbarrier.arrive $0xFFFF  }
0xad: {  	_ =	shalt  }

</sc_bundles>
